<compile_context>
chip_gen: v7x
topology: tpu7x:2x2x1
jax: 0.10.2.dev20260603
libtpu: 0.0.44.dev20260713+nightly
codegen_flags: <defaults>
</compile_context>

<pallas_src>
import functools

import jax
import jax.numpy as jnp
from jax import lax
from jax.experimental import pallas as pl
from jax.experimental.pallas import tpu as pltpu
from jax.experimental.pallas import tpu_sc as plsc

_N_NODES = 10000
_N_EDGES = 320000
_PROJ_DIM = 128
_GAT_DIM = 64

_NC = 2
_NS = 16
_NW = _NC * _NS
_L = 16
_CHUNK = _N_EDGES // _NW
_UNROLL = 5
_EWIN = _CHUNK + 112

_HI = -65536

_DN_T = (((1,), (1,)), ((), ()))


def _pack_bf16_pair(p, q):
    pi = lax.bitcast_convert_type(p, jnp.int32)
    qi = lax.bitcast_convert_type(q, jnp.int32)
    hi = pi & _HI
    lo = lax.shift_right_logical(qi + 0x8000, 16)
    return hi | lo


def _table_body(zb_ref, zp_ref, ab_ref, ap_ref, gb_ref, gp_ref, Wb_ref,
                Wp_ref, ob_ref, op_ref):
    ab = ab_ref[...]
    ap = ap_ref[...]
    Ab = jnp.concatenate([ab[:, :_GAT_DIM], ab[:, _GAT_DIM:]], axis=0)
    Ap = jnp.concatenate([ap[:, :_GAT_DIM], ap[:, _GAT_DIM:]], axis=0)
    Vb = jnp.dot(Ab, Wb_ref[...], preferred_element_type=jnp.float32)
    Vp = jnp.dot(Ap, Wp_ref[...], preferred_element_type=jnp.float32)
    Tb = lax.dot_general(Vb, zb_ref[...], _DN_T,
                         preferred_element_type=jnp.float32)
    Tp = lax.dot_general(Vp, zp_ref[...], _DN_T,
                         preferred_element_type=jnp.float32)
    e0 = jnp.exp(gb_ref[0])
    e1 = jnp.exp(gp_ref[0])
    w0 = e0 / (e0 + e1)
    w1 = e1 / (e0 + e1)
    ob_ref[...] = _pack_bf16_pair((Tb[0:1, :] + Tb[1:2, :]) * w0,
                                  (Tb[0:1, :] - Tb[1:2, :]) * w0)
    op_ref[...] = _pack_bf16_pair((Tp[0:1, :] + Tp[1:2, :]) * w1,
                                  (Tp[0:1, :] - Tp[1:2, :]) * w1)


_table_call = pl.pallas_call(
    _table_body,
    out_shape=(jax.ShapeDtypeStruct((1, _N_NODES), jnp.int32),
               jax.ShapeDtypeStruct((1, _N_NODES), jnp.int32)),
)


def _unpack(w):
    p = plsc.bitcast(w, jnp.float32)
    q = plsc.bitcast(lax.shift_left(w, 16), jnp.float32)
    return p, q


def _edge_body(tb_hbm, tp_hbm, ei_hbm, out_hbm, tb_v, tp_v, ed_v, out_v, sem):
    wid = lax.axis_index("s") * _NC + lax.axis_index("c")
    base = wid * _CHUNK
    astart = pl.multiple_of(base - (base % 128), 128)
    pad = base % 128

    c1 = pltpu.async_copy(tb_hbm.at[0], tb_v, sem)
    c2 = pltpu.async_copy(tp_hbm.at[0], tp_v, sem)
    c3 = pltpu.async_copy(ei_hbm.at[:, pl.ds(astart, _EWIN)], ed_v, sem)
    c1.wait()
    c2.wait()
    c3.wait()

    @plsc.parallel_loop(0, _CHUNK, _L, unroll=_UNROLL)
    def step(off):
        s = ed_v[0, pl.ds(pad + off, _L)]
        d = ed_v[1, pl.ds(pad + off, _L)]
        Sb_s, Db_s = _unpack(plsc.load_gather(tb_v, [s]))
        Sb_d, Db_d = _unpack(plsc.load_gather(tb_v, [d]))
        Sp_s, Dp_s = _unpack(plsc.load_gather(tp_v, [s]))
        Sp_d, Dp_d = _unpack(plsc.load_gather(tp_v, [d]))
        Sb = Sb_s + Sb_d
        Db = Db_s - Db_d
        Sp = Sp_s + Sp_d
        Dp = Dp_s - Dp_d
        lin = Sb + Sp
        mag = (jnp.maximum(jnp.abs(Sb), jnp.abs(Db))
               + jnp.maximum(jnp.abs(Sp), jnp.abs(Dp)))
        sc = 0.3 * lin + 0.2 * mag
        out_v[pl.ds(off, _L)] = 1.0 / (1.0 + jnp.exp(-sc))

    pltpu.sync_copy(out_v, out_hbm.at[pl.ds(base, _CHUNK)])


@functools.cache
def _edge_call():
  return functools.partial(
    pl.kernel,
    mesh=plsc.VectorSubcoreMesh(core_axis_name="c", subcore_axis_name="s"),
    out_type=jax.ShapeDtypeStruct((_N_EDGES,), jnp.float32),
    scratch_types=[
        pltpu.VMEM((_N_NODES,), jnp.int32),
        pltpu.VMEM((_N_NODES,), jnp.int32),
        pltpu.VMEM((2, _EWIN), jnp.int32),
        pltpu.VMEM((_CHUNK,), jnp.float32),
        pltpu.SemaphoreType.DMA,
    ],
    compiler_params=pltpu.CompilerParams(needs_layout_passes=False),
  )(_edge_body)


def kernel(z_beh, z_pref, edge_index_undirected, W_b, W_p, a_b, a_p,
           gamma_b, gamma_p):
    tb, tp = _table_call(z_beh, z_pref, a_b.reshape(1, -1), a_p.reshape(1, -1),
                         gamma_b.reshape(1), gamma_p.reshape(1),
                         W_b, W_p)
    return _edge_call()(tb, tp, edge_index_undirected)

# --- scband reference (transcript-rebuilt; emitter-appended) ---
"""Pipeline reference for scband-dual-channel-relation-weights-46883863003178 (READ-ONLY COPY).

The authoritative reference and input builder live on the scoring server;
editing this copy changes nothing except your own understanding.
"""

import jax, jax.numpy as jnp
import numpy as np

N_NODES = 10000
N_EDGES = 320000
PROJ_DIM = 128
GAT_DIM = 64
NEG_SLOPE = 0.2
TAU_MRF = 1.0


def setup_inputs(seed: int = 0) -> dict:
    key = jax.random.key(seed)
    ks = jax.random.split(key, 8)
    z_beh = jax.random.normal(ks[0], (N_NODES, PROJ_DIM), dtype=jnp.float32)
    z_pref = jax.random.normal(ks[1], (N_NODES, PROJ_DIM), dtype=jnp.float32)
    edge_index_undirected = jax.random.randint(ks[2], (2, N_EDGES), 0, N_NODES, dtype=jnp.int32)
    # Learned params (xavier-ish scaling)
    W_b = jax.random.normal(ks[3], (GAT_DIM, PROJ_DIM), dtype=jnp.float32) * (2.0 / (GAT_DIM + PROJ_DIM)) ** 0.5
    W_p = jax.random.normal(ks[4], (GAT_DIM, PROJ_DIM), dtype=jnp.float32) * (2.0 / (GAT_DIM + PROJ_DIM)) ** 0.5
    a_b = jax.random.normal(ks[5], (2 * GAT_DIM,), dtype=jnp.float32) * (2.0 / (1 + 2 * GAT_DIM)) ** 0.5
    a_p = jax.random.normal(ks[6], (2 * GAT_DIM,), dtype=jnp.float32) * (2.0 / (1 + 2 * GAT_DIM)) ** 0.5
    gamma_b = jnp.array(0.0, dtype=jnp.float32)
    gamma_p = jnp.array(0.0, dtype=jnp.float32)
    return {"z_beh": z_beh, "z_pref": z_pref, "edge_index_undirected": edge_index_undirected,
            "W_b": W_b, "W_p": W_p, "a_b": a_b, "a_p": a_p,
            "gamma_b": gamma_b, "gamma_p": gamma_p}


def _leaky_relu(x, negative_slope):
    return jnp.where(x >= 0, x, negative_slope * x)


def _e_ij(h, edge_index, a, negative_slope):
    src = edge_index[0]
    dst = edge_index[1]
    hi = jnp.take(h, src, axis=0)
    hj = jnp.take(h, dst, axis=0)
    cat = jnp.concatenate([hi, hj], axis=-1)
    e = (cat * a).sum(axis=-1)
    return _leaky_relu(e, negative_slope)


def reference(z_beh, z_pref, edge_index_undirected, W_b, W_p, a_b, a_p, gamma_b, gamma_p):
    h_b = z_beh @ W_b.T
    h_p = z_pref @ W_p.T
    ei = edge_index_undirected
    ei_flip = ei[::-1]
    e_b_ij = _e_ij(h_b, ei, a_b, NEG_SLOPE)
    e_b_ji = _e_ij(h_b, ei_flip, a_b, NEG_SLOPE)
    s_b = 0.5 * (e_b_ij + e_b_ji)
    e_p_ij = _e_ij(h_p, ei, a_p, NEG_SLOPE)
    e_p_ji = _e_ij(h_p, ei_flip, a_p, NEG_SLOPE)
    s_p = 0.5 * (e_p_ij + e_p_ji)
    gam = jnp.stack([gamma_b, gamma_p], axis=0)
    w = jax.nn.softmax(gam, axis=0)
    s = w[0] * s_b + w[1] * s_p
    alpha_ij = jax.nn.sigmoid(s / TAU_MRF)
    return alpha_ij

if __name__ == "__main__":
    import jax
    _d = setup_inputs()
    print(jax.jit(kernel)(*tuple(_d.values())))

</pallas_src>

<mosaic_0001>
#map = affine_map<(d0, d1) -> (0, 0)>
#map1 = affine_map<(d0, d1) -> (0)>
module attributes {stable_mosaic.version = 14 : i64} {
  func.func @_edge_body(%arg0: i32, %arg1: i32, %arg2: memref<1x10000xi32, #tpu.memory_space<hbm>>, %arg3: memref<1x10000xi32, #tpu.memory_space<hbm>>, %arg4: memref<2x320000xi32, #tpu.memory_space<hbm>>, %arg5: memref<320000xf32, #tpu.memory_space<hbm>>, %arg6: memref<10000xi32, #tpu.memory_space<vmem>>, %arg7: memref<10000xi32, #tpu.memory_space<vmem>>, %arg8: memref<2x10112xi32, #tpu.memory_space<vmem>>, %arg9: memref<10000xf32, #tpu.memory_space<vmem>>, %arg10: memref<!tpu.dma_semaphore, #tpu.memory_space<semaphore_mem>>) attributes {dimension_semantics = [#tpu.dimension_semantics<core_parallel>, #tpu.dimension_semantics<subcore_parallel>], iteration_bounds = array<i64: 2, 16>, scalar_prefetch = 0 : i64, scratch_operands = 5 : i64, tpu.core_type = #tpu.core_type<sc_vector_subcore>, window_params = [{transform_indices = #map}, {transform_indices = #map}, {transform_indices = #map}, {transform_indices = #map1}]} {
    %mul3A = arith.constant 2 : i32
    %mul3A_0 = arith.muli %arg1, %mul3A : i32
    %add3A = arith.addi %mul3A_0, %arg0 : i32
    %mul3A_1 = arith.constant 10000 : i32
    %mul3A_2 = arith.muli %add3A, %mul3A_1 : i32
    %jit3A = arith.constant 128 : i32
    %eq3A = arith.constant 0 : i32
    %eq3A_3 = arith.cmpi eq, %jit3A, %eq3A : i32
    %jit3A_4 = arith.constant 1 : i32
    %select_n3A = arith.select %eq3A_3, %jit3A_4, %jit3A : i32
    %rem3A = arith.remsi %mul3A_2, %select_n3A : i32
    %ne3A = arith.constant 0 : i32
    %ne3A_5 = arith.cmpi ne, %rem3A, %ne3A : i32
    %lt3A = arith.constant 0 : i32
    %lt3A_6 = arith.cmpi slt, %rem3A, %lt3A : i32
    %lt3A_7 = arith.constant 0 : i32
    %lt3A_8 = arith.cmpi slt, %select_n3A, %lt3A_7 : i32
    %ne3A_9 = arith.xori %lt3A_6, %lt3A_8 : i1
    %and3A = arith.andi %ne3A_9, %ne3A_5 : i1
    %add3A_10 = arith.addi %rem3A, %select_n3A : i32
    %select_n3A_11 = arith.select %and3A, %add3A_10, %rem3A : i32
    %sub3A = arith.subi %mul3A_2, %select_n3A_11 : i32
    %multiple_of3A = tpu.assume_multiple %sub3A, 128 : i32
    %jit3A_12 = arith.constant 128 : i32
    %eq3A_13 = arith.constant 0 : i32
    %eq3A_14 = arith.cmpi eq, %jit3A_12, %eq3A_13 : i32
    %jit3A_15 = arith.constant 1 : i32
    %select_n3A_16 = arith.select %eq3A_14, %jit3A_15, %jit3A_12 : i32
    %rem3A_17 = arith.remsi %mul3A_2, %select_n3A_16 : i32
    %ne3A_18 = arith.constant 0 : i32
    %ne3A_19 = arith.cmpi ne, %rem3A_17, %ne3A_18 : i32
    %lt3A_20 = arith.constant 0 : i32
    %lt3A_21 = arith.cmpi slt, %rem3A_17, %lt3A_20 : i32
    %lt3A_22 = arith.constant 0 : i32
    %lt3A_23 = arith.cmpi slt, %select_n3A_16, %lt3A_22 : i32
    %ne3A_24 = arith.xori %lt3A_21, %lt3A_23 : i1
    %and3A_25 = arith.andi %ne3A_24, %ne3A_19 : i1
    %add3A_26 = arith.addi %rem3A_17, %select_n3A_16 : i32
    %select_n3A_27 = arith.select %and3A_25, %add3A_26, %rem3A_17 : i32
    %dma_start3A = arith.constant 0 : i32
    %dma_start3A_28 = arith.constant 0 : i32
    %dma_start3A_29 = tpu.memref_slice %arg2[%dma_start3A, %dma_start3A_28] : memref<1x10000xi32, #tpu.memory_space<hbm>> -> memref<1x10000xi32, #tpu.memory_space<hbm>>
    %dma_start3A_30 = tpu.memref_squeeze %dma_start3A_29 : memref<1x10000xi32, #tpu.memory_space<hbm>> -> memref<10000xi32, #tpu.memory_space<hbm>>
    %dma_start3A_31 = arith.constant 0 : i32
    %dma_start3A_32 = tpu.memref_slice %arg2[%dma_start3A, %dma_start3A_31] : memref<1x10000xi32, #tpu.memory_space<hbm>> -> memref<1x10000xi32, #tpu.memory_space<hbm>>
    %dma_start3A_33 = tpu.memref_squeeze %dma_start3A_32 : memref<1x10000xi32, #tpu.memory_space<hbm>> -> memref<10000xi32, #tpu.memory_space<hbm>>
    tpu.enqueue_dma source(%dma_start3A_33 : memref<10000xi32, #tpu.memory_space<hbm>>) target(%arg6 : memref<10000xi32, #tpu.memory_space<vmem>>) target_semaphore(%arg10 : memref<!tpu.dma_semaphore, #tpu.memory_space<semaphore_mem>>)
    %dma_start3A_34 = arith.constant 0 : i32
    %dma_start3A_35 = arith.constant 0 : i32
    %dma_start3A_36 = tpu.memref_slice %arg3[%dma_start3A_34, %dma_start3A_35] : memref<1x10000xi32, #tpu.memory_space<hbm>> -> memref<1x10000xi32, #tpu.memory_space<hbm>>
    %dma_start3A_37 = tpu.memref_squeeze %dma_start3A_36 : memref<1x10000xi32, #tpu.memory_space<hbm>> -> memref<10000xi32, #tpu.memory_space<hbm>>
    %dma_start3A_38 = arith.constant 0 : i32
    %dma_start3A_39 = tpu.memref_slice %arg3[%dma_start3A_34, %dma_start3A_38] : memref<1x10000xi32, #tpu.memory_space<hbm>> -> memref<1x10000xi32, #tpu.memory_space<hbm>>
    %dma_start3A_40 = tpu.memref_squeeze %dma_start3A_39 : memref<1x10000xi32, #tpu.memory_space<hbm>> -> memref<10000xi32, #tpu.memory_space<hbm>>
    tpu.enqueue_dma source(%dma_start3A_40 : memref<10000xi32, #tpu.memory_space<hbm>>) target(%arg7 : memref<10000xi32, #tpu.memory_space<vmem>>) target_semaphore(%arg10 : memref<!tpu.dma_semaphore, #tpu.memory_space<semaphore_mem>>)
    %dma_start3A_41 = arith.constant 0 : i32
    %dma_start3A_42 = tpu.memref_slice %arg4[%dma_start3A_41, %multiple_of3A] : memref<2x320000xi32, #tpu.memory_space<hbm>> -> memref<2x10112xi32, #tpu.memory_space<hbm>>
    %dma_start3A_43 = arith.constant 0 : i32
    %dma_start3A_44 = tpu.memref_slice %arg4[%dma_start3A_43, %multiple_of3A] : memref<2x320000xi32, #tpu.memory_space<hbm>> -> memref<2x10112xi32, #tpu.memory_space<hbm>>
    tpu.enqueue_dma source(%dma_start3A_44 : memref<2x10112xi32, #tpu.memory_space<hbm>>) target(%arg8 : memref<2x10112xi32, #tpu.memory_space<vmem>>) target_semaphore(%arg10 : memref<!tpu.dma_semaphore, #tpu.memory_space<semaphore_mem>>)
    %dma_wait3A = arith.constant 0 : i32
    %dma_wait3A_45 = arith.constant 0 : i32
    %dma_wait3A_46 = tpu.memref_slice %arg2[%dma_wait3A, %dma_wait3A_45] : memref<1x10000xi32, #tpu.memory_space<hbm>> -> memref<1x10000xi32, #tpu.memory_space<hbm>>
    %dma_wait3A_47 = tpu.memref_squeeze %dma_wait3A_46 : memref<1x10000xi32, #tpu.memory_space<hbm>> -> memref<10000xi32, #tpu.memory_space<hbm>>
    %dma_wait3A_48 = arith.constant 0 : i32
    %dma_wait3A_49 = tpu.memref_slice %arg2[%dma_wait3A, %dma_wait3A_48] : memref<1x10000xi32, #tpu.memory_space<hbm>> -> memref<1x10000xi32, #tpu.memory_space<hbm>>
    %dma_wait3A_50 = tpu.memref_squeeze %dma_wait3A_49 : memref<1x10000xi32, #tpu.memory_space<hbm>> -> memref<10000xi32, #tpu.memory_space<hbm>>
    tpu.wait_dma2 semaphore(%arg10 : memref<!tpu.dma_semaphore, #tpu.memory_space<semaphore_mem>>) src(%dma_wait3A_50 : memref<10000xi32, #tpu.memory_space<hbm>>) dst(%arg6 : memref<10000xi32, #tpu.memory_space<vmem>>)
    %dma_wait3A_51 = arith.constant 0 : i32
    %dma_wait3A_52 = arith.constant 0 : i32
    %dma_wait3A_53 = tpu.memref_slice %arg3[%dma_wait3A_51, %dma_wait3A_52] : memref<1x10000xi32, #tpu.memory_space<hbm>> -> memref<1x10000xi32, #tpu.memory_space<hbm>>
    %dma_wait3A_54 = tpu.memref_squeeze %dma_wait3A_53 : memref<1x10000xi32, #tpu.memory_space<hbm>> -> memref<10000xi32, #tpu.memory_space<hbm>>
    %dma_wait3A_55 = arith.constant 0 : i32
    %dma_wait3A_56 = tpu.memref_slice %arg3[%dma_wait3A_51, %dma_wait3A_55] : memref<1x10000xi32, #tpu.memory_space<hbm>> -> memref<1x10000xi32, #tpu.memory_space<hbm>>
    %dma_wait3A_57 = tpu.memref_squeeze %dma_wait3A_56 : memref<1x10000xi32, #tpu.memory_space<hbm>> -> memref<10000xi32, #tpu.memory_space<hbm>>
    tpu.wait_dma2 semaphore(%arg10 : memref<!tpu.dma_semaphore, #tpu.memory_space<semaphore_mem>>) src(%dma_wait3A_57 : memref<10000xi32, #tpu.memory_space<hbm>>) dst(%arg7 : memref<10000xi32, #tpu.memory_space<vmem>>)
    %dma_wait3A_58 = arith.constant 0 : i32
    %dma_wait3A_59 = tpu.memref_slice %arg4[%dma_wait3A_58, %multiple_of3A] : memref<2x320000xi32, #tpu.memory_space<hbm>> -> memref<2x10112xi32, #tpu.memory_space<hbm>>
    %dma_wait3A_60 = arith.constant 0 : i32
    %dma_wait3A_61 = tpu.memref_slice %arg4[%dma_wait3A_60, %multiple_of3A] : memref<2x320000xi32, #tpu.memory_space<hbm>> -> memref<2x10112xi32, #tpu.memory_space<hbm>>
    tpu.wait_dma2 semaphore(%arg10 : memref<!tpu.dma_semaphore, #tpu.memory_space<semaphore_mem>>) src(%dma_wait3A_61 : memref<2x10112xi32, #tpu.memory_space<hbm>>) dst(%arg8 : memref<2x10112xi32, #tpu.memory_space<vmem>>)
    %parallel_loop3A = arith.constant 0 : i32
    %parallel_loop3A_62 = arith.constant 10000 : i32
    %parallel_loop3A_63 = arith.constant 16 : i32
    scf.for %parallel_loop3A_64 = %parallel_loop3A to %parallel_loop3A_62 step %parallel_loop3A_63  : i32 {
      %parallel_loop3A_65 = arith.addi %select_n3A_27, %parallel_loop3A_64 : i32
      %parallel_loop3A_66 = arith.constant 0 : i32
      %parallel_loop3A_67 = arith.index_cast %parallel_loop3A_66 : i32 to index
      %parallel_loop3A_68 = arith.index_cast %parallel_loop3A_65 : i32 to index
      %parallel_loop3A_69 = tpu.vector_load %arg8[%parallel_loop3A_67, %parallel_loop3A_68] {strides = array<i32>} : memref<2x10112xi32, #tpu.memory_space<vmem>>, vector<16xi32>,
      %parallel_loop3A_70 = arith.addi %select_n3A_27, %parallel_loop3A_64 : i32
      %parallel_loop3A_71 = arith.constant 1 : i32
      %parallel_loop3A_72 = arith.index_cast %parallel_loop3A_71 : i32 to index
      %parallel_loop3A_73 = arith.index_cast %parallel_loop3A_70 : i32 to index
      %parallel_loop3A_74 = tpu.vector_load %arg8[%parallel_loop3A_72, %parallel_loop3A_73] {strides = array<i32>} : memref<2x10112xi32, #tpu.memory_space<vmem>>, vector<16xi32>,
      %parallel_loop3A_75 = tpu.vector_load_idx %arg6[%parallel_loop3A_69] : memref<10000xi32, #tpu.memory_space<vmem>>[vector<16xi32>], vector<16xi32>,
      %parallel_loop3A_76 = vector.bitcast %parallel_loop3A_75 : vector<16xi32> to vector<16xf32>
      %parallel_loop3A_77 = arith.constant 16 : i32
      %parallel_loop3A_78 = vector.broadcast %parallel_loop3A_77 : i32 to vector<16xi32>
      %parallel_loop3A_79 = arith.shli %parallel_loop3A_75, %parallel_loop3A_78 : vector<16xi32>
      %parallel_loop3A_80 = vector.bitcast %parallel_loop3A_79 : vector<16xi32> to vector<16xf32>
      %parallel_loop3A_81 = tpu.vector_load_idx %arg6[%parallel_loop3A_74] : memref<10000xi32, #tpu.memory_space<vmem>>[vector<16xi32>], vector<16xi32>,
      %parallel_loop3A_82 = vector.bitcast %parallel_loop3A_81 : vector<16xi32> to vector<16xf32>
      %parallel_loop3A_83 = arith.constant 16 : i32
      %parallel_loop3A_84 = vector.broadcast %parallel_loop3A_83 : i32 to vector<16xi32>
      %parallel_loop3A_85 = arith.shli %parallel_loop3A_81, %parallel_loop3A_84 : vector<16xi32>
      %parallel_loop3A_86 = vector.bitcast %parallel_loop3A_85 : vector<16xi32> to vector<16xf32>
      %parallel_loop3A_87 = tpu.vector_load_idx %arg7[%parallel_loop3A_69] : memref<10000xi32, #tpu.memory_space<vmem>>[vector<16xi32>], vector<16xi32>,
      %parallel_loop3A_88 = vector.bitcast %parallel_loop3A_87 : vector<16xi32> to vector<16xf32>
      %parallel_loop3A_89 = arith.constant 16 : i32
      %parallel_loop3A_90 = vector.broadcast %parallel_loop3A_89 : i32 to vector<16xi32>
      %parallel_loop3A_91 = arith.shli %parallel_loop3A_87, %parallel_loop3A_90 : vector<16xi32>
      %parallel_loop3A_92 = vector.bitcast %parallel_loop3A_91 : vector<16xi32> to vector<16xf32>
      %parallel_loop3A_93 = tpu.vector_load_idx %arg7[%parallel_loop3A_74] : memref<10000xi32, #tpu.memory_space<vmem>>[vector<16xi32>], vector<16xi32>,
      %parallel_loop3A_94 = vector.bitcast %parallel_loop3A_93 : vector<16xi32> to vector<16xf32>
      %parallel_loop3A_95 = arith.constant 16 : i32
      %parallel_loop3A_96 = vector.broadcast %parallel_loop3A_95 : i32 to vector<16xi32>
      %parallel_loop3A_97 = arith.shli %parallel_loop3A_93, %parallel_loop3A_96 : vector<16xi32>
      %parallel_loop3A_98 = vector.bitcast %parallel_loop3A_97 : vector<16xi32> to vector<16xf32>
      %parallel_loop3A_99 = arith.addf %parallel_loop3A_76, %parallel_loop3A_82 : vector<16xf32>
      %parallel_loop3A_100 = arith.subf %parallel_loop3A_80, %parallel_loop3A_86 : vector<16xf32>
      %parallel_loop3A_101 = arith.addf %parallel_loop3A_88, %parallel_loop3A_94 : vector<16xf32>
      %parallel_loop3A_102 = arith.subf %parallel_loop3A_92, %parallel_loop3A_98 : vector<16xf32>
      %parallel_loop3A_103 = arith.addf %parallel_loop3A_99, %parallel_loop3A_101 : vector<16xf32>
      %parallel_loop3A_104 = math.absf %parallel_loop3A_99 : vector<16xf32>
      %parallel_loop3A_105 = math.absf %parallel_loop3A_100 : vector<16xf32>
      %parallel_loop3A_106 = arith.maximumf %parallel_loop3A_104, %parallel_loop3A_105 : vector<16xf32>
      %parallel_loop3A_107 = math.absf %parallel_loop3A_101 : vector<16xf32>
      %parallel_loop3A_108 = math.absf %parallel_loop3A_102 : vector<16xf32>
      %parallel_loop3A_109 = arith.maximumf %parallel_loop3A_107, %parallel_loop3A_108 : vector<16xf32>
      %parallel_loop3A_110 = arith.addf %parallel_loop3A_106, %parallel_loop3A_109 : vector<16xf32>
      %parallel_loop3A_111 = arith.constant 3.000000e-01 : f32
      %parallel_loop3A_112 = vector.broadcast %parallel_loop3A_111 : f32 to vector<16xf32>
      %parallel_loop3A_113 = arith.mulf %parallel_loop3A_112, %parallel_loop3A_103 : vector<16xf32>
      %parallel_loop3A_114 = arith.constant 2.000000e-01 : f32
      %parallel_loop3A_115 = vector.broadcast %parallel_loop3A_114 : f32 to vector<16xf32>
      %parallel_loop3A_116 = arith.mulf %parallel_loop3A_115, %parallel_loop3A_110 : vector<16xf32>
      %parallel_loop3A_117 = arith.addf %parallel_loop3A_113, %parallel_loop3A_116 : vector<16xf32>
      %parallel_loop3A_118 = arith.constant 0.000000e+00 : f32
      %parallel_loop3A_119 = vector.broadcast %parallel_loop3A_118 : f32 to vector<16xf32>
      %parallel_loop3A_120 = arith.subf %parallel_loop3A_119, %parallel_loop3A_117 : vector<16xf32>
      %parallel_loop3A_121 = math.exp %parallel_loop3A_120 : vector<16xf32>
      %parallel_loop3A_122 = arith.constant 1.000000e+00 : f32
      %parallel_loop3A_123 = vector.broadcast %parallel_loop3A_122 : f32 to vector<16xf32>
      %parallel_loop3A_124 = arith.addf %parallel_loop3A_123, %parallel_loop3A_121 : vector<16xf32>
      %parallel_loop3A_125 = arith.constant 1.000000e+00 : f32
      %parallel_loop3A_126 = vector.broadcast %parallel_loop3A_125 : f32 to vector<16xf32>
      %parallel_loop3A_127 = arith.divf %parallel_loop3A_126, %parallel_loop3A_124 : vector<16xf32>
      %parallel_loop3A_128 = arith.index_cast %parallel_loop3A_64 : i32 to index
      %parallel_loop3A_129 = tpu.vector_load %arg9[%parallel_loop3A_128] {strides = array<i32>} : memref<10000xf32, #tpu.memory_space<vmem>>, vector<16xf32>,
      tpu.vector_store %arg9[%parallel_loop3A_128], %parallel_loop3A_127 {strides = array<i32>} : memref<10000xf32, #tpu.memory_space<vmem>>, vector<16xf32>,
    } {sc.loop_unroll_factor = 5 : i64, sc.parallel_access}
    "tpu.region"() ({
      %run_scoped3A = tpu.sem_alloc : memref<!tpu.dma_semaphore, #tpu.memory_space<semaphore_mem>>
      %dma_start3A_64 = tpu.memref_slice %arg5[%mul3A_2] : memref<320000xf32, #tpu.memory_space<hbm>> -> memref<10000xf32, #tpu.memory_space<hbm>>
      %dma_start3A_65 = tpu.memref_slice %arg5[%mul3A_2] : memref<320000xf32, #tpu.memory_space<hbm>> -> memref<10000xf32, #tpu.memory_space<hbm>>
      tpu.enqueue_dma source(%arg9 : memref<10000xf32, #tpu.memory_space<vmem>>) target(%dma_start3A_65 : memref<10000xf32, #tpu.memory_space<hbm>>) target_semaphore(%run_scoped3A : memref<!tpu.dma_semaphore, #tpu.memory_space<semaphore_mem>>)
      %dma_wait3A_66 = tpu.memref_slice %arg5[%mul3A_2] : memref<320000xf32, #tpu.memory_space<hbm>> -> memref<10000xf32, #tpu.memory_space<hbm>>
      %dma_wait3A_67 = tpu.memref_slice %arg5[%mul3A_2] : memref<320000xf32, #tpu.memory_space<hbm>> -> memref<10000xf32, #tpu.memory_space<hbm>>
      tpu.wait_dma2 semaphore(%run_scoped3A : memref<!tpu.dma_semaphore, #tpu.memory_space<semaphore_mem>>) src(%arg9 : memref<10000xf32, #tpu.memory_space<vmem>>) dst(%dma_wait3A_67 : memref<10000xf32, #tpu.memory_space<hbm>>)
      tpu.yield
    }) : () -> ()
    return
  }
}

module attributes {stable_mosaic.version = 14 : i64} {
  func.func @_table_body(%arg0: memref<10000x128xf32, #tpu.memory_space<vmem>>, %arg1: memref<10000x128xf32, #tpu.memory_space<vmem>>, %arg2: memref<1x128xf32, #tpu.memory_space<vmem>>, %arg3: memref<1x128xf32, #tpu.memory_space<vmem>>, %arg4: memref<1xf32, #tpu.memory_space<vmem>>, %arg5: memref<1xf32, #tpu.memory_space<vmem>>, %arg6: memref<64x128xf32, #tpu.memory_space<vmem>>, %arg7: memref<64x128xf32, #tpu.memory_space<vmem>>, %arg8: memref<1x10000xi32, #tpu.memory_space<vmem>>, %arg9: memref<1x10000xi32, #tpu.memory_space<vmem>>) attributes {dimension_semantics = [], scalar_prefetch = 0 : i64, scratch_operands = 0 : i64, tpu.core_type = #tpu.core_type<tc>} {
    %get3A = arith.constant 0 : index
    %get3A_0 = arith.constant 0 : index
    %get3A_1 = vector.load %arg2[%get3A, %get3A_0] : memref<1x128xf32, #tpu.memory_space<vmem>>, vector<1x128xf32>
    %get3A_2 = arith.constant 0 : index
    %get3A_3 = arith.constant 0 : index
    %get3A_4 = vector.load %arg3[%get3A_2, %get3A_3] : memref<1x128xf32, #tpu.memory_space<vmem>>, vector<1x128xf32>
    %slice3A = vector.extract_strided_slice %get3A_1 {offsets = [0, 0], sizes = [1, 64], strides = [1, 1]} : vector<1x128xf32> to vector<1x64xf32>
    %slice3A_5 = vector.extract_strided_slice %get3A_1 {offsets = [0, 64], sizes = [1, 64], strides = [1, 1]} : vector<1x128xf32> to vector<1x64xf32>
    %concatenate3A = tpu.concatenate %slice3A, %slice3A_5 in 0 : vector<1x64xf32>, vector<1x64xf32> -> vector<2x64xf32>
    %slice3A_6 = vector.extract_strided_slice %get3A_4 {offsets = [0, 0], sizes = [1, 64], strides = [1, 1]} : vector<1x128xf32> to vector<1x64xf32>
    %slice3A_7 = vector.extract_strided_slice %get3A_4 {offsets = [0, 64], sizes = [1, 64], strides = [1, 1]} : vector<1x128xf32> to vector<1x64xf32>
    %concatenate3A_8 = tpu.concatenate %slice3A_6, %slice3A_7 in 0 : vector<1x64xf32>, vector<1x64xf32> -> vector<2x64xf32>
    %get3A_9 = arith.constant 0 : index
    %get3A_10 = arith.constant 0 : index
    %get3A_11 = vector.load %arg6[%get3A_9, %get3A_10] : memref<64x128xf32, #tpu.memory_space<vmem>>, vector<64x128xf32>
    %dot_general3A = arith.constant dense<0.000000e+00> : vector<2x128xf32>
    %dot_general3A_12 = tpu.matmul %concatenate3A, %get3A_11, %dot_general3A {dimension_numbers = #tpu.dot_dimension_numbers<[1], [0], [0], [1], [0, 0, 1, 1], [], []>, transpose_lhs_hint = false} : vector<2x64xf32>, vector<64x128xf32>, vector<2x128xf32> -> vector<2x128xf32>
    %get3A_13 = arith.constant 0 : index
    %get3A_14 = arith.constant 0 : index
    %get3A_15 = vector.load %arg7[%get3A_13, %get3A_14] : memref<64x128xf32, #tpu.memory_space<vmem>>, vector<64x128xf32>
    %dot_general3A_16 = arith.constant dense<0.000000e+00> : vector<2x128xf32>
    %dot_general3A_17 = tpu.matmul %concatenate3A_8, %get3A_15, %dot_general3A_16 {dimension_numbers = #tpu.dot_dimension_numbers<[1], [0], [0], [1], [0, 0, 1, 1], [], []>, transpose_lhs_hint = false} : vector<2x64xf32>, vector<64x128xf32>, vector<2x128xf32> -> vector<2x128xf32>
    %get3A_18 = arith.constant 0 : index
    %get3A_19 = arith.constant 0 : index
    %get3A_20 = vector.load %arg0[%get3A_18, %get3A_19] : memref<10000x128xf32, #tpu.memory_space<vmem>>, vector<10000x128xf32>
    %dot_general3A_21 = arith.constant dense<0.000000e+00> : vector<2x10000xf32>
    %dot_general3A_22 = tpu.matmul %dot_general3A_12, %get3A_20, %dot_general3A_21 {dimension_numbers = #tpu.dot_dimension_numbers<[1], [1], [0], [0], [0, 0, 1, 0], [], []>, transpose_lhs_hint = false} : vector<2x128xf32>, vector<10000x128xf32>, vector<2x10000xf32> -> vector<2x10000xf32>
    %get3A_23 = arith.constant 0 : index
    %get3A_24 = arith.constant 0 : index
    %get3A_25 = vector.load %arg1[%get3A_23, %get3A_24] : memref<10000x128xf32, #tpu.memory_space<vmem>>, vector<10000x128xf32>
    %dot_general3A_26 = arith.constant dense<0.000000e+00> : vector<2x10000xf32>
    %dot_general3A_27 = tpu.matmul %dot_general3A_17, %get3A_25, %dot_general3A_26 {dimension_numbers = #tpu.dot_dimension_numbers<[1], [1], [0], [0], [0, 0, 1, 0], [], []>, transpose_lhs_hint = false} : vector<2x128xf32>, vector<10000x128xf32>, vector<2x10000xf32> -> vector<2x10000xf32>
    %get3A_28 = arith.constant 0 : index
    %get3A_29 = vector.load %arg4[%get3A_28] : memref<1xf32, #tpu.memory_space<vmem>>, vector<1xf32>
    %get3A_30 = vector.extract %get3A_29[0] : f32 from vector<1xf32>
    %exp3A = math.exp %get3A_30 : f32
    %get3A_31 = arith.constant 0 : index
    %get3A_32 = vector.load %arg5[%get3A_31] : memref<1xf32, #tpu.memory_space<vmem>>, vector<1xf32>
    %get3A_33 = vector.extract %get3A_32[0] : f32 from vector<1xf32>
    %exp3A_34 = math.exp %get3A_33 : f32
    %add3A = arith.addf %exp3A, %exp3A_34 : f32
    %div3A = arith.divf %exp3A, %add3A : f32
    %add3A_35 = arith.addf %exp3A, %exp3A_34 : f32
    %div3A_36 = arith.divf %exp3A_34, %add3A_35 : f32
    %slice3A_37 = vector.extract_strided_slice %dot_general3A_22 {offsets = [0, 0], sizes = [1, 10000], strides = [1, 1]} : vector<2x10000xf32> to vector<1x10000xf32>
    %slice3A_38 = vector.extract_strided_slice %dot_general3A_22 {offsets = [1, 0], sizes = [1, 10000], strides = [1, 1]} : vector<2x10000xf32> to vector<1x10000xf32>
    %add3A_39 = arith.addf %slice3A_37, %slice3A_38 : vector<1x10000xf32>
    %mul3A = vector.broadcast %div3A : f32 to vector<1x10000xf32>
    %mul3A_40 = arith.mulf %add3A_39, %mul3A : vector<1x10000xf32>
    %slice3A_41 = vector.extract_strided_slice %dot_general3A_22 {offsets = [0, 0], sizes = [1, 10000], strides = [1, 1]} : vector<2x10000xf32> to vector<1x10000xf32>
    %slice3A_42 = vector.extract_strided_slice %dot_general3A_22 {offsets = [1, 0], sizes = [1, 10000], strides = [1, 1]} : vector<2x10000xf32> to vector<1x10000xf32>
    %sub3A = arith.subf %slice3A_41, %slice3A_42 : vector<1x10000xf32>
    %mul3A_43 = vector.broadcast %div3A : f32 to vector<1x10000xf32>
    %mul3A_44 = arith.mulf %sub3A, %mul3A_43 : vector<1x10000xf32>
    %bitcast_convert_type3A = tpu.bitcast %mul3A_40 : vector<1x10000xf32> -> vector<1x10000xi32>
    %bitcast_convert_type3A_45 = tpu.bitcast %mul3A_44 : vector<1x10000xf32> -> vector<1x10000xi32>
    %and3A = arith.constant -65536 : i32
    %and3A_46 = vector.broadcast %and3A : i32 to vector<1x10000xi32>
    %and3A_47 = arith.andi %bitcast_convert_type3A, %and3A_46 : vector<1x10000xi32>
    %add3A_48 = arith.constant 32768 : i32
    %add3A_49 = vector.broadcast %add3A_48 : i32 to vector<1x10000xi32>
    %add3A_50 = arith.addi %bitcast_convert_type3A_45, %add3A_49 : vector<1x10000xi32>
    %shift_right_logical3A = arith.constant 16 : i32
    %shift_right_logical3A_51 = vector.broadcast %shift_right_logical3A : i32 to vector<1x10000xi32>
    %shift_right_logical3A_52 = arith.shrui %add3A_50, %shift_right_logical3A_51 : vector<1x10000xi32>
    %or3A = arith.ori %and3A_47, %shift_right_logical3A_52 : vector<1x10000xi32>
    %swap3A = arith.constant 0 : index
    %swap3A_53 = arith.constant 0 : index
    %swap3A_54 = vector.load %arg8[%swap3A, %swap3A_53] : memref<1x10000xi32, #tpu.memory_space<vmem>>, vector<1x10000xi32>
    tpu.vector_store %arg8[%swap3A, %swap3A_53], %or3A {strides = array<i32>} : memref<1x10000xi32, #tpu.memory_space<vmem>>, vector<1x10000xi32>,
    %slice3A_55 = vector.extract_strided_slice %dot_general3A_27 {offsets = [0, 0], sizes = [1, 10000], strides = [1, 1]} : vector<2x10000xf32> to vector<1x10000xf32>
    %slice3A_56 = vector.extract_strided_slice %dot_general3A_27 {offsets = [1, 0], sizes = [1, 10000], strides = [1, 1]} : vector<2x10000xf32> to vector<1x10000xf32>
    %add3A_57 = arith.addf %slice3A_55, %slice3A_56 : vector<1x10000xf32>
    %mul3A_58 = vector.broadcast %div3A_36 : f32 to vector<1x10000xf32>
    %mul3A_59 = arith.mulf %add3A_57, %mul3A_58 : vector<1x10000xf32>
    %slice3A_60 = vector.extract_strided_slice %dot_general3A_27 {offsets = [0, 0], sizes = [1, 10000], strides = [1, 1]} : vector<2x10000xf32> to vector<1x10000xf32>
    %slice3A_61 = vector.extract_strided_slice %dot_general3A_27 {offsets = [1, 0], sizes = [1, 10000], strides = [1, 1]} : vector<2x10000xf32> to vector<1x10000xf32>
    %sub3A_62 = arith.subf %slice3A_60, %slice3A_61 : vector<1x10000xf32>
    %mul3A_63 = vector.broadcast %div3A_36 : f32 to vector<1x10000xf32>
    %mul3A_64 = arith.mulf %sub3A_62, %mul3A_63 : vector<1x10000xf32>
    %bitcast_convert_type3A_65 = tpu.bitcast %mul3A_59 : vector<1x10000xf32> -> vector<1x10000xi32>
    %bitcast_convert_type3A_66 = tpu.bitcast %mul3A_64 : vector<1x10000xf32> -> vector<1x10000xi32>
    %and3A_67 = arith.constant -65536 : i32
    %and3A_68 = vector.broadcast %and3A_67 : i32 to vector<1x10000xi32>
    %and3A_69 = arith.andi %bitcast_convert_type3A_65, %and3A_68 : vector<1x10000xi32>
    %add3A_70 = arith.constant 32768 : i32
    %add3A_71 = vector.broadcast %add3A_70 : i32 to vector<1x10000xi32>
    %add3A_72 = arith.addi %bitcast_convert_type3A_66, %add3A_71 : vector<1x10000xi32>
    %shift_right_logical3A_73 = arith.constant 16 : i32
    %shift_right_logical3A_74 = vector.broadcast %shift_right_logical3A_73 : i32 to vector<1x10000xi32>
    %shift_right_logical3A_75 = arith.shrui %add3A_72, %shift_right_logical3A_74 : vector<1x10000xi32>
    %or3A_76 = arith.ori %and3A_69, %shift_right_logical3A_75 : vector<1x10000xi32>
    %swap3A_77 = arith.constant 0 : index
    %swap3A_78 = arith.constant 0 : index
    %swap3A_79 = vector.load %arg9[%swap3A_77, %swap3A_78] : memref<1x10000xi32, #tpu.memory_space<vmem>>, vector<1x10000xi32>
    tpu.vector_store %arg9[%swap3A_77, %swap3A_78], %or3A_76 {strides = array<i32>} : memref<1x10000xi32, #tpu.memory_space<vmem>>, vector<1x10000xi32>,
    return
  }
}

</mosaic_0001>

<sc_bundles>
// kernel: kernel.4.cloned.1.call-start
scs
__scs_entry_jumppad:
0x0: {  	(pc) =	sbr.rel $0x88, $3  }
0x1: {  	(tag) =	ssettag $0x0;
	lr =	simm.s32 $0x1  }
0x2: {  	[smem:$0x3F98] =	sst lr;
	_ =	strace $0xD0000000  }
0x3: {  	_ = 	snop  }
0x4: {  	_ = 	snop  }
0x5: {  	_ = 	snop  }
0x6: {  	_ = 	snop  }
0x7: {  	_ = 	snop  }
__scs_overlays_trampoline_lowered:
0x8: {  	[smem:$0x3FA7] =	sst s0  }
0x9: {  	[smem:$0x3FA8] =	sst s1  }
0xa: {  	[smem:$0x3FA9] =	sst s2  }
0xb: {  	[smem:$0x3FAA] =	sst s3  }
0xc: {  	[smem:$0x3FAB] =	sst s4  }
0xd: {  	[smem:$0x3FAC] =	sst s5  }
0xe: {  	[smem:$0x3FAD] =	sst s6  }
0xf: {  	[smem:$0x3FAE] =	sst s7  }
0x10: {  	[smem:$0x3FAF] =	sst s8  }
0x11: {  	[smem:$0x3FB0] =	sst s9;
	s0 =	simm.s32 @!p0 $0x0  }
0x12: {  	s1 =	sld [smem:$0x3F96];
	s0 =	simm.s32 @p0 $0x1  }
0x13: {  	[smem:$0x3FB1] =	sst s0;
	s0 =	simm.s32 @!p1 $0x0  }
0x14: {  	s2 =	sld [smem:$0x3F95];
	s0 =	simm.s32 @p1 $0x1  }
0x15: {  	[smem:$0x3FB2] =	sst s0;
	s0 =	simm.s32 @!p2 $0x0  }
0x16: {  	s3 =	sld [smem:$0x3FDB];
	s0 =	simm.s32 @p2 $0x1  }
0x17: {  	s4 =	simm.s32 $0x1BF5;
	[smem:$0x3FB4] =	sst s0  }
0x18: {  	s0 =	sld [smem:$0x3F97];
	_ =	swait.ge [sflag:s4], $0x0  }
0x19: {  	s7 =	sld [smem:$0x3F98]  }
0x1a: {  	s8 =	sadd.s32 $0xFFFFE003, lr  }
0x1b: {  	s9 =	sadd.s32 $0xFFFFFEF7, lr;
	s5 =	simm.s32 $0xFFFFFFFF;
	p2 =	slt.u32 s8, $0xFFFFF086  }
0x1c: {  	p1 =	slt.u32 s9, $0xF7A;
	s5 =	simm.s32 @!p2 $0x0  }
0x1d: {  	s5 =	simm.s32 @p1 $0x1;
	p0 =	seq.s32 s7, s2  }
0x1e: {  	s7 =	smul.u32 @!p0 $0xF7A, s2;
	p2 =	seq.s32 @!p0 s5, $0x0  }
0x1f: {  	s9 =	smul.u32 $0xF7A, s1;
	s8 =	simm.s32 @!p0 $0x1BF5;
	p2 =	por !p2, p0  }
0x20: {  	[sflag:s8] =	ssyncset.s32 @!p0 $0xFFFFF086;
	s6 =	sadd.s32 @!p0 s3, s7;
	s7 =	simm.s32 @!p0 $0x108  }
0x21: {  	s3 =	sadd.s32 s3, s9;
	s6 =	sadd.s32 @!p0 $0x88, s6;
	s7 =	simm.s32 @p2 $0x1082  }
0x22: {  	[simem:s7], [sflag:s8] =	dma.local @!p0 [hbm:s6], $0xF7A  }
0x23: {  	s9 =	sor.u32 $0xD0000000, s2;
	s6 =	simm.s32 $0x108;
	_ =	swait.ge @!p0 [sflag:s8], $0x0  }
0x24: {  	s3 =	sadd.s32 $0x88, s3;
	s6 =	simm.s32 @!p1 $0x1082;
	[sflag:s4] =	ssyncset.s32 $0xFFFFF086  }
0x25: {  	[simem:s6], [sflag:s4] =	dma.local [hbm:s3], $0xF7A  }
0x26: {  	[smem:$0x3F98] =	sst s1;
	(tag) =	ssettag s2;
	_ =	strace s9  }
0x27: {  	s1 =	sld [smem:$0x3FA8]  }
0x28: {  	s2 =	sld [smem:$0x3FA9]  }
0x29: {  	s4 =	sld [smem:$0x3FAB]  }
0x2a: {  	p0 =	seq.s32 s5, $0x0;
	s5 =	sld [smem:$0x3FAC]  }
0x2b: {  	s6 =	sld [smem:$0x3FAD]  }
0x2c: {  	s7 =	sld [smem:$0x3FAE]  }
0x2d: {  	s3 =	simm.s32 $0x108;
	s8 =	sld [smem:$0x3FAF]  }
0x2e: {  	s3 =	simm.s32 @!p0 $0x1082;
	s9 =	sld [smem:$0x3FB0]  }
0x2f: {  	lr =	sadd.s32 s0, s3;
	s0 =	sld [smem:$0x3FA7]  }
0x30: {  	s3 =	sld [smem:$0x3FAA]  }
0x31: {  	[smem:$0x3FB3] =	sst s10  }
0x32: {  	s10 =	sld [smem:$0x3FB1];
	_ =	sdelay $0x3  }
0x33: {  	p0 =	seq.s32 s10, $0x1;
	s10 =	sld [smem:$0x3FB3];
	_ =	sdelay $0x3  }
0x34: {  	[smem:$0x3FB3] =	sst s10  }
0x35: {  	s10 =	sld [smem:$0x3FB2];
	_ =	sdelay $0x3  }
0x36: {  	p1 =	seq.s32 s10, $0x1;
	s10 =	sld [smem:$0x3FB3];
	_ =	sdelay $0x3  }
0x37: {  	[smem:$0x3FB3] =	sst s10  }
0x38: {  	s10 =	sld [smem:$0x3FB4]  }
0x39: {  	_ = 	snop;
	(pc) =	sbr.ind lr, $3  }
0x3a: {  	_ = 	snop  }
0x3b: {  	_ = 	snop  }
0x3c: {  	p2 =	seq.s32 s10, $0x1;
	s10 =	sld [smem:$0x3FB3]  }
0x3d: {  	_ =	shalt  }
0x3e: {  	_ =	shalt  }
0x3f: {  	_ =	shalt  }
0x40: {  	_ =	shalt  }
0x41: {  	_ =	shalt  }
0x42: {  	_ =	shalt  }
0x43: {  	_ =	shalt  }
0x44: {  	_ =	shalt  }
0x45: {  	_ =	shalt  }
0x46: {  	_ =	shalt  }
0x47: {  	_ =	shalt  }
0x48: {  	_ =	shalt  }
0x49: {  	_ =	shalt  }
0x4a: {  	_ =	shalt  }
0x4b: {  	_ =	shalt  }
0x4c: {  	_ =	shalt  }
0x4d: {  	_ =	shalt  }
0x4e: {  	_ =	shalt  }
0x4f: {  	_ =	shalt  }
0x50: {  	_ =	shalt  }
0x51: {  	_ =	shalt  }
0x52: {  	_ =	shalt  }
0x53: {  	_ =	shalt  }
0x54: {  	_ =	shalt  }
0x55: {  	_ =	shalt  }
0x56: {  	_ =	shalt  }
0x57: {  	_ =	shalt  }
0x58: {  	_ =	shalt  }
0x59: {  	_ =	shalt  }
0x5a: {  	_ =	shalt  }
0x5b: {  	_ =	shalt  }
0x5c: {  	_ =	shalt  }
0x5d: {  	_ =	shalt  }
0x5e: {  	_ =	shalt  }
0x5f: {  	_ =	shalt  }
0x60: {  	_ =	shalt  }
0x61: {  	_ =	shalt  }
0x62: {  	_ =	shalt  }
0x63: {  	_ =	shalt  }
0x64: {  	_ =	shalt  }
0x65: {  	_ =	shalt  }
0x66: {  	_ =	shalt  }
0x67: {  	_ =	shalt  }
0x68: {  	_ =	shalt  }
0x69: {  	_ =	shalt  }
0x6a: {  	_ =	shalt  }
0x6b: {  	_ =	shalt  }
0x6c: {  	_ =	shalt  }
0x6d: {  	_ =	shalt  }
0x6e: {  	_ =	shalt  }
0x6f: {  	_ =	shalt  }
0x70: {  	_ =	shalt  }
0x71: {  	_ =	shalt  }
0x72: {  	_ =	shalt  }
0x73: {  	_ =	shalt  }
0x74: {  	_ =	shalt  }
0x75: {  	_ =	shalt  }
0x76: {  	_ =	shalt  }
0x77: {  	_ =	shalt  }
0x78: {  	_ =	shalt  }
0x79: {  	_ =	shalt  }
0x7a: {  	_ =	shalt  }
0x7b: {  	_ =	shalt  }
0x7c: {  	_ =	shalt  }
0x7d: {  	_ =	shalt  }
0x7e: {  	_ =	shalt  }
0x7f: {  	_ =	shalt  }
0x80: {  	_ =	shalt  }
0x81: {  	_ =	shalt  }
0x82: {  	_ =	shalt  }
0x83: {  	_ =	shalt  }
0x84: {  	_ =	shalt  }
0x85: {  	_ =	shalt  }
0x86: {  	_ =	shalt  }
0x87: {  	_ =	shalt  }
.Lfunc_end0:
.L_simem_size_0:
called_computation_lowered:
.L_overlay_start_0:
0x88: {  	s2 =	sld [smem:$0x3FD9]  }
0x89: {  	s3 =	sld [smem:$0x3FFE];
	_ =	sdelay $0x1  }
0x8a: {  	s1 =	srdreg.scid  }
0x8b: {  	s0 =	sand.u32 $0x1, s1  }
0x8c: {  	s17 =	sshll.u32 s0, $0xA;
	s2 =	sadd.s32 s3, s2  }
0x8d: {  	s2 =	sadd.s32 s2, s17  }
0x8e: {  	[smem:$0x3FBF] =	sst s2  }
0x8f: {  	_ = 	snop  }
0x90: {  	s2 =	sld [smem:$0x3FC7]  }
0x91: {  	s18 =	sld [smem:$0x3FD0];
	(tm) =	ssettm $0x1  }
0x92: {  	s4 =	sld [smem:$0x3FFB];
	_ =	sdelay $0x3  }
0x93: {  	_ =	strace s4  }
0x94: {  	s4 =	sld [smem:$0x3FFC];
	_ =	sdelay $0x3  }
0x95: {  	_ =	strace s4  }
0x96: {  	s4 =	sld [smem:$0x3FFD];
	_ =	sdelay $0x3  }
0x97: {  	_ =	strace s4  }
0x98: {  	_ =	strace $0x8FFFFFFF  }
0x99: {  	s19 =	sld [smem:$0x3FDB];
	_ =	sdelay $0x1  }
0x9a: {  	s5 =	simm.s32 $_scs_section_size  }
0x9b: {  	s6 =	simm.s32 $_size__tile_overlayer_lowered;
	s7 =	simm.s32 $_tile_overlayer_lowered  }
0x9c: {  	s22 =	simm.s32 $0x1BFF;
	s21 =	sshll.u32 s7, $0x1;
	s4 =	sadd.s32 s5, s19  }
0x9d: {  	s8 =	simm.s32 $0x0;
	s20 =	sshll.u32 s6, $0x1;
	s6 =	sadd.s32 s21, s4  }
0x9e: {  	[timem:s8], [sflag:s22] =	dma.local [hbm:s6], s20  }
0x9f: {  	_ =	swait.ge [sflag:s22], s20  }
0xa0: {  	s5 =	ssub.s32 $0x0, s20;
	[sflag:s22] =	ssyncset.done $0x0  }
0xa1: {  	[sflag:s22] =	ssyncadd.s32 s5;
	_ =	sdelay $0x1  }
0xa2: {  	s23 =	simm.s32 $0x1B8B  }
0xa3: {  	_ =	swait.ge [sflag:s23], $0x1  }
0xa4: {  	[sflag:s23] =	ssyncset.done $0x0  }
0xa5: {  	s25 =	simm.s32 $0x1B8E;
	s24 =	sld [smem:$0x3FFE];
	[sflag:s23] =	ssyncadd.s32 $0xFFFFFFFF  }
0xa6: {  	s26 =	simm.s32 $execute0_lowered;
	[smem:$0x3FD2] =	sst s25  }
0xa7: {  	s6 =	sshll.u32 s26, $0x1;
	_ =	strace $0x80000046;
	[dreg:$0x1] =	wrdreg $0xFFFFFFFF  }
0xa8: {  	s28 =	simm.s32 $_size_execute0_lowered;
	s4 =	sadd.s32 s4, s6;
	[dreg:$0x0] =	wrdreg $0x0  }
0xa9: {  	s6 =	sshll.u32 s28, $0x1;
	[dreg:$0x2] =	wrdreg s4  }
0xaa: {  	[dreg:$0x3] =	wrdreg s6  }
0xab: {  	[dreg:$0x4] =	wrdreg $0xC0  }
0xac: {  	_ =	task [dreg:s8], $0x5FFFF  }
0xad: {  	[dreg:$0x1] =	wrdreg $0xFFFFFFFF  }
0xae: {  	[dreg:$0x0] =	wrdreg $0x60  }
0xaf: {  	[dreg:$0x2] =	wrdreg s24  }
0xb0: {  	[dreg:$0x3] =	wrdreg s2  }
0xb1: {  	[dreg:$0x4] =	wrdreg s18  }
0xb2: {  	[dreg:$0x5] =	wrdreg $0x9  }
0xb3: {  	_ =	task.clear_ibuf [dreg:s8], $0x6FFFF;
	_ =	strace $0x90000046  }
0xb4: {  	s29 =	simm.s32 $0x9;
	_ =	strace $0x80000048  }
0xb5: {  	_ =	swait.ge [sflag:s29], $0x1  }
0xb6: {  	[sflag:s29] =	ssyncadd.s32 $0xFFFFFFFF  }
0xb7: {  	_ =	strace $0x90000048  }
0xb8: {  	_ =	sfence  }
0xb9: {  	s30 =	sld [smem:$0x0];
	_ =	sdelay $0x2  }
0xba: {  	s31 =	sshll.u32 s1, $0xD;
	s1 =	sshrl.u32 s1, $0x2  }
0xbb: {  	s3 =	sand.u32 $0x4000, s31;
	s1 =	sadd.s32 s1, s30  }
0xbc: {  	s0 =	sor.u32 s3, s0;
	s1 =	sshll.u32 s1, $0x11  }
0xbd: {  	s0 =	sor.u32 s1, s0  }
0xbe: {  	s0 =	sadd.s32 $0x8F2B, s0  }
0xbf: {  	[sflag:s0] =	ssyncadd.remote.s32 $0x1  }
0xc0: {  	_ =	sfence.sel $0xFFFF  }
0xc1: {  	[dreg:$0x0] =	wrdreg $0xFFFFFFFF;
	(pc) =	sbr.abs _section_cstart, $3  }
0xc2: {  	[dreg:$0x1] =	wrdreg $0xFFFFFFFF  }
0xc3: {  	_ =	task.clear_ibuf [dreg:s8], $0x2FFFF;
	_ =	strace $0x9FFFFFFF  }
0xc4: {  	(tm) =	ssettm $0x7FFFFFFF  }
0xc5: {  	_ =	shalt  }
tec
execute0_lowered:
.L_overlay_start_1:
0x0: {  	(tag) =	ssettag $0x1  }
0x1: {  	s4 =	rddreg [dreg:$0x0]  }
0x2: {  	s5 =	rddreg [dreg:$0x1]  }
0x3: {  	s6 =	rddreg [dreg:$0x2]  }
0x4: {  	s0 =	rddreg [dreg:$0x3];
	s2 =	simm.s32 $0x0  }
0x5: {  	s3 =	srdreg.scid;
	s1 =	stileid.u32;
	s13 =	simm.s32 $0x9E00  }
0x6: {  	s14 =	simm.s32 $0x2;
	s15 =	simm.s32 $0x0;
	[smem:$0x7FF] =	sst s2  }
0x7: {  	s7 =	sand.u32 $0x1, s3;
	s29 =	sshll.u32 s1, $0x1;
	s8 =	smul.u32 $0x4E20, s1  }
0x8: {  	s3 =	sadd.s32 $0x1600, s4;
	s9 =	sor.u32 s7, s29;
	s10 =	smul.u32 $0x2710, s7  }
0x9: {  	s4 =	sadd.s32 $0x1C00, s4;
	s7 =	ssub.s32 $0x2, s7;
	s11 =	smul.u32 $0x2710, s9  }
0xa: {  	_ =	strace $0x80000047;
	s12 =	sshrl.u32 s7, $0x1;
	s9 =	smul.u32 $0x9C4, s9  }
0xb: {  	s8 =	sadd.s32 s10, s8;
	s7 =	ssub.s32 s7, s12;
	s10 =	simm.s32 $0x2780  }
0xc: {  	s12 =	simm.s32 $0x1;
	s8 =	sshrl.u32 s8, $0x4;
	s9 =	sand.u32 $0x1FFE0, s9  }
0xd: {  	s30 =	sshrl.u32 s11, $0x3;
	s7 =	smax.u32 s7, $0x1;
	s8 =	sand.u32 $0x7, s8  }
0xe: {  	s11 =	simm.s32 $0x4F00;
	s5 =	sadd.s32 s5, s9;
	s31 =	sshll.u32 s8, $0x5  }
0xf: {  	s6 =	sadd.s32 s6, s30;
	s8 =	sshll.u32 s8, $0x4;
	s9 =	sadd.s32 $0x80, s31  }
.LBB2_1:
0x10: {  	[tilespmem:s2], [sflag:$0x1] =	stream.linear.gather [hbm4b:s3+s2], $0x2780, $0x38;
	[tilespmem:$0xC580] =	vst v63  }
0x11: {  	_ = 	snop  }
0x12: {  	[tilespmem:s10], [sflag:$0x1] =	stream.linear.gather [hbm4b:s4+s2], $0x2780, $0x38;
	[tilespmem:$0xC580] =	vst v63  }
0x13: {  	_ = 	snop  }
0x14: {  	[tilespmem:s11], [sflag:$0x1] =	stream.linear.gather [hbm4b:s5+s2], $0x4F00, $0x38;
	[tilespmem:$0xC580] =	vst v63  }
0x15: {  	_ =	swait.ge [sflag:s12], $0x2780  }
0x16: {  	[sflag:s12] =	ssyncset.done $0x0  }
0x17: {  	[sflag:s12] =	ssyncadd.s32 $0xFFFFD880  }
0x18: {  	_ =	swait.ge [sflag:s12], $0x2780  }
0x19: {  	s16 =	sadd.s32 $0xFFFFFFB0, s8;
	s18 =	sand.u32 $0x1FF00, s9;
	[sflag:s12] =	ssyncset.done $0x0  }
0x1a: {  	s29 =	sadd.s32 $0xFFFFFFE0, s9;
	s17 =	sadd.s32 $0x90, s16;
	[sflag:s12] =	ssyncadd.s32 $0xFFFFD880  }
0x1b: {  	s22 =	sadd.s32 $0x50, s16;
	s19 =	sadd.s32 $0x60, s16;
	_ =	swait.ge [sflag:s12], $0x4F00  }
0x1c: {  	s26 =	sadd.s32 $0x70, s16;
	s17 =	sand.u32 $0x70, s17;
	[sflag:s12] =	ssyncset.done $0x0  }
0x1d: {  	s16 =	sadd.s32 $0x80, s16;
	s17 =	sor.u32 s17, s18;
	[sflag:s12] =	ssyncadd.s32 $0xFFFFB100  }
0x1e: {  	s30 =	sand.u32 $0x1FF00, s29;
	s16 =	sand.u32 $0x70, s16;
	v0 =	vld [tilespmem:s17+$0x4F00]  }
0x1f: {  	s23 =	sadd.s32 $0xFFFFFF80, s9;
	s16 =	sor.u32 s16, s30;
	v1 =	vld [tilespmem:s17+$0x4F80]  }
0x20: {  	s18 =	sand.u32 $0xFF00, s23;
	s17 =	sand.u32 $0x70, s22;
	v10 =	vld [tilespmem:s16+$0x4F00]  }
0x21: {  	s20 =	sadd.s32 $0xFFFFFFA0, s9;
	v11 =	vld [tilespmem:s16+$0x4F80];
	s17 =	sor.u32 s17, s18  }
0x22: {  	s25 =	sand.u32 $0x1FF00, s20;
	s24 =	sand.u32 $0x70, s19;
	v2 =	vld [tilespmem:s17+$0x4F00]  }
0x23: {  	s28 =	sadd.s32 $0xFFFFFFC0, s9;
	s18 =	sor.u32 s24, s25;
	v3 =	vld [tilespmem:s17+$0x4F80]  }
0x24: {  	s19 =	sand.u32 $0x1FF00, s28;
	v4 =	vld [tilespmem:s18+$0x4F00];
	s17 =	sand.u32 $0x70, s26  }
0x25: {  	v7 =	vld [tilespmem:s18+$0x4F80];
	s17 =	sor.u32 s17, s19  }
0x26: {  	v8 =	vld [tilespmem:s17+$0x4F00]  }
0x27: {  	v5 =	vld.idx.msk [tilespmem:v0+s2+$0x0], $0xffff  }
0x28: {  	v6 =	vld.idx.msk [tilespmem:v1+s2+$0x0], $0xffff  }
0x29: {  	v0 =	vld.idx.msk [tilespmem:v0+s10+$0x0], $0xffff  }
0x2a: {  	v1 =	vld.idx.msk [tilespmem:v1+s10+$0x0], $0xffff  }
0x2b: {  	v9 =	vld [tilespmem:s17+$0x4F80]  }
0x2c: {  	v12 =	vld.idx.msk [tilespmem:v2+s2+$0x0], $0xffff  }
0x2d: {  	v15 =	vld.idx.msk [tilespmem:v3+s2+$0x0], $0xffff  }
0x2e: {  	v2 =	vld.idx.msk [tilespmem:v2+s10+$0x0], $0xffff;
	v13 =	vshll.u32 v5, $0x10  }
0x2f: {  	v17 =	vld.idx.msk [tilespmem:v7+s2+$0x0], $0xffff;
	v5 =	vadd.f32 v6, v5;
	v14 =	vadd.f32 v1, v0;
	v6 =	vshll.u32 v6, $0x10  }
0x30: {  	v7 =	vld.idx.msk [tilespmem:v7+s10+$0x0], $0xffff;
	v0 =	vshll.u32 v0, $0x10;
	v1 =	vshll.u32 v1, $0x10;
	v6 =	vsub.f32 v13, v6  }
0x31: {  	v0 =	vsub.f32 v0, v1;
	v1 =	vld.idx.msk [tilespmem:v3+s10+$0x0], $0xffff;
	v3 =	vand.u32 $0x7FFFFFFF, v5  }
0x32: {  	v13 =	vld.idx.msk [tilespmem:v4+s2+$0x0], $0xffff;
	v16 =	vand.u32 $0x7FFFFFFF, v14;
	v5 =	vadd.f32 v14, v5;
	v6 =	vand.u32 $0x7FFFFFFF, v6  }
0x33: {  	v4 =	vld.idx.msk [tilespmem:v4+s10+$0x0], $0xffff;
	v14 =	vshll.u32 v2, $0x10;
	v0 =	vand.u32 $0x7FFFFFFF, v0;
	v3 =	vmax.f32 v3, v6  }
0x34: {  	v0 =	vmax.f32 v16, v0;
	v6 =	vshll.u32 v12, $0x10;
	v12 =	vadd.f32 v15, v12  }
0x35: {  	v5 =	vmul.f32 $3.000000120e-01, v5;
	v0 =	vadd.f32 v0, v3;
	v3 =	vshll.u32 v15, $0x10;
	v15 =	vld.idx.msk [tilespmem:v8+s2+$0x0], $0xffff  }
0x36: {  	v8 =	vld.idx.msk [tilespmem:v8+s10+$0x0], $0xffff;
	v16 =	vshll.u32 v1, $0x10;
	v3 =	vsub.f32 v6, v3;
	v1 =	vadd.f32 v1, v2  }
0x37: {  	v2 =	vld.idx.msk [tilespmem:v9+s2+$0x0], $0xffff;
	v0 =	vmul.f32 $2.000000030e-01, v0;
	v6 =	vsub.f32 v14, v16;
	v14 =	vshll.u32 v13, $0x10  }
0x38: {  	v9 =	vld.idx.msk [tilespmem:v9+s10+$0x0], $0xffff;
	v13 =	vadd.f32 v17, v13;
	v16 =	vshll.u32 v4, $0x10;
	v4 =	vadd.f32 v7, v4  }
0x39: {  	v0 =	vadd.f32 v0, v5;
	v5 =	vshll.u32 v17, $0x10;
	v17 =	vshll.u32 v7, $0x10;
	v7 =	vld.idx.msk [tilespmem:v11+s2+$0x0], $0xffff  }
0x3a: {  	v3 =	vand.u32 $0x7FFFFFFF, v3;
	v5 =	vsub.f32 v14, v5  }
0x3b: {  	v6 =	vand.u32 $0x7FFFFFFF, v6;
	v14 =	vld.idx.msk [tilespmem:v10+s2+$0x0], $0xffff;
	v16 =	vsub.f32 v16, v17;
	v0 =	vsub.f32 $0.0e+00, v0  }
0x3c: {  	v17 =	vshll.u32 v15, $0x10;
	v10 =	vld.idx.msk [tilespmem:v10+s10+$0x0], $0xffff;
	v18 =	vshll.u32 v2, $0x10;
	v2 =	vadd.f32 v2, v15  }
0x3d: {  	v11 =	vld.idx.msk [tilespmem:v11+s10+$0x0], $0xffff;
	v15 =	vshll.u32 v8, $0x10;
	v8 =	vadd.f32 v9, v8;
	v0 =	vmul.f32 $1.442695020e+00, v0  }
0x3e: {  	v5 =	vand.u32 $0x7FFFFFFF, v5;
	v17 =	vsub.f32 v17, v18;
	v18 =	vshll.u32 v7, $0x10  }
0x3f: {  	(erf) = vpow2.f32 v0;
	v0 =	vand.u32 $0x7FFFFFFF, v16;
	v16 =	vshll.u32 v9, $0x10  }
0x40: {  	s31 =	sadd.s32 $0x0, s8;
	v7 =	vadd.f32 v7, v14;
	v9 =	vsub.f32 v15, v16;
	v15 =	vand.u32 $0x7FFFFFFF, v17  }
0x41: {  	s16 =	sadd.s32 $0xA0, s9;
	s19 =	sadd.s32 $0x90, s31;
	v16 =	vshll.u32 v14, $0x10;
	v17 =	vand.u32 $0x7FFFFFFF, v12;
	v14 =	vshll.u32 v10, $0x10  }
0x42: {  	s20 =	sand.u32 $0x1FF00, s16;
	s18 =	sand.u32 $0x70, s19;
	v10 =	vadd.f32 v11, v10;
	v3 =	vmax.f32 v17, v3;
	v16 =	vsub.f32 v16, v18  }
0x43: {  	s18 =	sor.u32 s18, s20;
	v17 =	vshll.u32 v11, $0x10;
	v11 =	vand.u32 $0x7FFFFFFF, v1;
	v1 =	vadd.f32 v1, v12  }
0x44: {  	v12 =	vld [tilespmem:s18+$0x4F80];
	v9 =	vand.u32 $0x7FFFFFFF, v9;
	v14 =	vsub.f32 v14, v17;
	v6 =	vmax.f32 v11, v6  }
0x45: {  	v11 =	vadd.f32 v4, v13;
	v13 =	vand.u32 $0x7FFFFFFF, v13;
	v4 =	vand.u32 $0x7FFFFFFF, v4  }
0x46: {  	s21 =	sadd.s32 $0x50, s31;
	s23 =	sadd.s32 $0x60, s31;
	s22 =	sadd.s32 $0xFFFFFF80, s16;
	v18 =	vand.u32 $0x7FFFFFFF, v10;
	v16 =	vand.u32 $0x7FFFFFFF, v16;
	v3 =	vadd.f32 v6, v3  }
0x47: {  	s19 =	sand.u32 $0xFF00, s22;
	v17 =	vld [tilespmem:s18+$0x4F00];
	s18 =	sand.u32 $0x70, s21;
	s21 =	sadd.s32 $0xFFFFFFA0, s16;
	v6 =	vadd.f32 v8, v2;
	v2 =	vand.u32 $0x7FFFFFFF, v2;
	v8 =	vand.u32 $0x7FFFFFFF, v8  }
0x48: {  	s24 =	sand.u32 $0x70, s23;
	s18 =	sor.u32 s18, s19;
	v5 =	vmax.f32 v13, v5;
	s25 =	sand.u32 $0x1FF00, s21;
	v13 =	vand.u32 $0x7FFFFFFF, v7;
	v0 =	vmax.f32 v4, v0  }
0x49: {  	v1 =	vmul.f32 $3.000000120e-01, v1;
	v7 =	vadd.f32 v10, v7;
	v14 =	vand.u32 $0x7FFFFFFF, v14;
	v19 =	vld [tilespmem:s18+$0x4F00]  }
0x4a: {  	s19 =	sor.u32 s24, s25;
	v2 =	vmax.f32 v2, v15;
	v4 =	vld [tilespmem:s18+$0x4F80];
	v8 =	vmax.f32 v8, v9;
	v9 =	vmax.f32 v13, v16  }
0x4b: {  	v0 =	vadd.f32 v0, v5;
	v13 =	vmax.f32 v18, v14;
	v14 =	vld [tilespmem:s19+$0x4F00];
	v3 =	vmul.f32 $2.000000030e-01, v3  }
0x4c: {  	s28 =	sadd.s32 $0xFFFFFFC0, s16;
	s26 =	sadd.s32 $0x70, s31;
	v2 =	vadd.f32 v8, v2;
	v8 =	vadd.f32 v13, v9;
	v9 =	vld.idx.msk [tilespmem:v12+s2+$0x0], $0xffff  }
0x4d: {  	s20 =	sand.u32 $0x1FF00, s28;
	s18 =	sand.u32 $0x70, s26;
	v0 =	vmul.f32 $2.000000030e-01, v0;
	v1 =	vadd.f32 v3, v1;
	v3 =	vmul.f32 $3.000000120e-01, v11;
	v11 =	vld.idx.msk [tilespmem:v12+s10+$0x0], $0xffff  }
0x4e: {  	s18 =	sor.u32 s18, s20;
	v12 =	vld [tilespmem:s19+$0x4F80]  }
0x4f: {  	v6 =	vmul.f32 $3.000000120e-01, v6;
	v7 =	vmul.f32 $3.000000120e-01, v7;
	v0 =	vadd.f32 v0, v3;
	v3 =	vld [tilespmem:s18+$0x4F00]  }
0x50: {  	s29 =	sadd.s32 $0xFFFFFFE0, s16;
	s17 =	sadd.s32 $0x80, s31;
	v2 =	vmul.f32 $2.000000030e-01, v2;
	v10 =	vpop (erf);
	v8 =	vmul.f32 $2.000000030e-01, v8;
	v5 =	vld.idx.msk [tilespmem:v17+s2+$0x0], $0xffff  }
0x51: {  	s30 =	sand.u32 $0x1FF00, s29;
	s17 =	sand.u32 $0x70, s17;
	v10 =	vadd.f32 $1.000000000e+00, v10;
	v1 =	vsub.f32 $0.0e+00, v1;
	v13 =	vld.idx.msk [tilespmem:v17+s10+$0x0], $0xffff  }
0x52: {  	s17 =	sor.u32 s17, s30;
	v2 =	vadd.f32 v2, v6;
	v6 =	vadd.f32 v8, v7;
	v7 =	vld [tilespmem:s18+$0x4F80]  }
0x53: {  	v8 =	vld [tilespmem:s17+$0x4F00];
	v1 =	vmul.f32 $1.442695020e+00, v1;
	v0 =	vsub.f32 $0.0e+00, v0  }
0x54: {  	(erf) = vrcp.f32 v10;
	v2 =	vsub.f32 $0.0e+00, v2;
	v10 =	vld [tilespmem:s17+$0x4F80]  }
0x55: {  	v6 =	vsub.f32 $0.0e+00, v6;
	v15 =	vld.idx.msk [tilespmem:v19+s2+$0x0], $0xffff;
	v0 =	vmul.f32 $1.442695020e+00, v0;
	(erf) = vpow2.f32 v1  }
0x56: {  	v17 =	vld.idx.msk [tilespmem:v4+s2+$0x0], $0xffff;
	v1 =	vshll.u32 v5, $0x10;
	v5 =	vadd.f32 v9, v5;
	v9 =	vshll.u32 v9, $0x10  }
0x57: {  	v4 =	vld.idx.msk [tilespmem:v4+s10+$0x0], $0xffff;
	v2 =	vmul.f32 $1.442695020e+00, v2;
	v6 =	vmul.f32 $1.442695020e+00, v6;
	v1 =	vsub.f32 v1, v9  }
0x58: {  	v16 =	vadd.f32 v11, v13;
	v13 =	vshll.u32 v13, $0x10;
	v11 =	vshll.u32 v11, $0x10;
	v9 =	vld.idx.msk [tilespmem:v19+s10+$0x0], $0xffff  }
0x59: {  	(erf) = vpow2.f32 v0;
	v11 =	vsub.f32 v13, v11;
	v0 =	vand.u32 $0x7FFFFFFF, v1;
	v1 =	vld.idx.msk [tilespmem:v14+s2+$0x0], $0xffff  }
0x5a: {  	(erf) = vpow2.f32 v2;
	v13 =	vand.u32 $0x7FFFFFFF, v5;
	v14 =	vld.idx.msk [tilespmem:v14+s10+$0x0], $0xffff  }
0x5b: {  	v18 =	vand.u32 $0x7FFFFFFF, v16;
	(erf) = vpow2.f32 v6;
	v11 =	vand.u32 $0x7FFFFFFF, v11;
	v6 =	vld.idx.msk [tilespmem:v7+s2+$0x0], $0xffff  }
0x5c: {  	v2 =	vadd.f32 v16, v5;
	v7 =	vld.idx.msk [tilespmem:v7+s10+$0x0], $0xffff;
	v0 =	vmax.f32 v13, v0;
	v11 =	vmax.f32 v18, v11  }
0x5d: {  	v5 =	vshll.u32 v15, $0x10;
	v15 =	vadd.f32 v17, v15;
	v13 =	vld.idx.msk [tilespmem:v12+s2+$0x0], $0xffff;
	v0 =	vadd.f32 v11, v0  }
0x5e: {  	v12 =	vld.idx.msk [tilespmem:v12+s10+$0x0], $0xffff;
	v2 =	vmul.f32 $3.000000120e-01, v2;
	v18 =	vshll.u32 v4, $0x10;
	v11 =	vshll.u32 v17, $0x10  }
0x5f: {  	v17 =	vld.idx.msk [tilespmem:v3+s2+$0x0], $0xffff;
	v16 =	vshll.u32 v9, $0x10;
	v5 =	vsub.f32 v5, v11;
	v0 =	vmul.f32 $2.000000030e-01, v0  }
0x60: {  	v3 =	vld.idx.msk [tilespmem:v3+s10+$0x0], $0xffff;
	v4 =	vadd.f32 v4, v9;
	v9 =	vsub.f32 v16, v18;
	v11 =	vshll.u32 v1, $0x10  }
0x61: {  	v18 =	vshll.u32 v6, $0x10;
	v0 =	vadd.f32 v0, v2;
	v2 =	vand.u32 $0x7FFFFFFF, v5  }
0x62: {  	v5 =	vshll.u32 v13, $0x10;
	v1 =	vadd.f32 v13, v1;
	v13 =	vshll.u32 v14, $0x10  }
0x63: {  	v5 =	vsub.f32 v11, v5;
	v11 =	vshll.u32 v12, $0x10;
	v12 =	vadd.f32 v12, v14  }
0x64: {  	v16 =	vld.idx.msk [tilespmem:v8+s2+$0x0], $0xffff;
	v14 =	vshll.u32 v17, $0x10;
	v6 =	vadd.f32 v6, v17;
	v0 =	vsub.f32 $0.0e+00, v0  }
0x65: {  	v17 =	vshll.u32 v3, $0x10;
	v3 =	vadd.f32 v7, v3;
	v11 =	vsub.f32 v13, v11;
	v13 =	vld.idx.msk [tilespmem:v10+s2+$0x0], $0xffff  }
0x66: {  	v9 =	vand.u32 $0x7FFFFFFF, v9;
	v10 =	vld.idx.msk [tilespmem:v10+s10+$0x0], $0xffff;
	v14 =	vsub.f32 v14, v18;
	v0 =	vmul.f32 $1.442695020e+00, v0  }
0x67: {  	v8 =	vld.idx.msk [tilespmem:v8+s10+$0x0], $0xffff;
	v5 =	vand.u32 $0x7FFFFFFF, v5;
	v22 =	vadd.f32 v3, v6;
	v6 =	vand.u32 $0x7FFFFFFF, v6  }
0x68: {  	v3 =	vand.u32 $0x7FFFFFFF, v3;
	v11 =	vand.u32 $0x7FFFFFFF, v11;
	(erf) = vpow2.f32 v0  }
0x69: {  	s31 =	sadd.s32 $0x50, s8;
	v0 =	vshll.u32 v7, $0x10;
	v7 =	vand.u32 $0x7FFFFFFF, v14;
	v14 =	vshll.u32 v16, $0x10  }
0x6a: {  	s16 =	sadd.s32 $0xA0, s16;
	s19 =	sadd.s32 $0x90, s31;
	v0 =	vsub.f32 v17, v0;
	v17 =	vand.u32 $0x7FFFFFFF, v15;
	v18 =	vshll.u32 v13, $0x10  }
0x6b: {  	s20 =	sand.u32 $0x1FF00, s16;
	s18 =	sand.u32 $0x70, s19;
	v13 =	vadd.f32 v13, v16;
	v19 =	vshll.u32 v10, $0x10;
	v6 =	vmax.f32 v6, v7  }
0x6c: {  	s18 =	sor.u32 s18, s20;
	v16 =	vmax.f32 v17, v2;
	v17 =	vshll.u32 v8, $0x10;
	v14 =	vsub.f32 v14, v18  }
0x6d: {  	v21 =	vld [tilespmem:s18+$0x4F80];
	v8 =	vadd.f32 v10, v8;
	v10 =	vand.u32 $0x7FFFFFFF, v4;
	v4 =	vadd.f32 v4, v15  }
0x6e: {  	v0 =	vand.u32 $0x7FFFFFFF, v0;
	v17 =	vsub.f32 v17, v19;
	v9 =	vmax.f32 v10, v9  }
0x6f: {  	v15 =	vld [tilespmem:s18+$0x4F00];
	v19 =	vadd.f32 v12, v1;
	v1 =	vand.u32 $0x7FFFFFFF, v1;
	v12 =	vand.u32 $0x7FFFFFFF, v12  }
0x70: {  	s21 =	sadd.s32 $0x50, s31;
	s22 =	sadd.s32 $0xFFFFFF80, s16;
	v14 =	vand.u32 $0x7FFFFFFF, v14;
	v9 =	vadd.f32 v9, v16;
	v1 =	vmax.f32 v1, v5  }
0x71: {  	s19 =	sand.u32 $0xFF00, s22;
	s18 =	sand.u32 $0x70, s21;
	v5 =	vand.u32 $0x7FFFFFFF, v13;
	v24 =	vand.u32 $0x7FFFFFFF, v8;
	v11 =	vmax.f32 v12, v11  }
0x72: {  	v2 =	vpop (erf);
	s18 =	sor.u32 s18, s19;
	v0 =	vmax.f32 v3, v0;
	v4 =	vmul.f32 $3.000000120e-01, v4;
	v8 =	vadd.f32 v8, v13  }
0x73: {  	s23 =	sadd.s32 $0x60, s31;
	s24 =	sadd.s32 $0xFFFFFFA0, s16;
	v18 =	vpop (erf);
	v7 =	vld [tilespmem:s18+$0x4F00];
	v17 =	vand.u32 $0x7FFFFFFF, v17;
	v3 =	vmax.f32 v5, v14;
	v1 =	vadd.f32 v11, v1  }
0x74: {  	s25 =	sand.u32 $0x70, s23;
	s26 =	sand.u32 $0x1FF00, s24;
	v12 =	vld [tilespmem:s18+$0x4F80];
	v20 =	vpop (erf);
	v0 =	vadd.f32 v0, v6;
	v5 =	vmax.f32 v24, v17;
	v9 =	vmul.f32 $2.000000030e-01, v9  }
0x75: {  	s19 =	sor.u32 s25, s26;
	v13 =	vld.idx.msk [tilespmem:v21+s2+$0x0], $0xffff;
	v11 =	vadd.f32 $1.000000000e+00, v18;
	v10 =	vpop (erf);
	v8 =	vmul.f32 $3.000000120e-01, v8;
	v3 =	vadd.f32 v5, v3  }
0x76: {  	v6 =	vld [tilespmem:s19+$0x4F00];
	v16 =	vpop (erf);
	v1 =	vmul.f32 $2.000000030e-01, v1;
	v0 =	vmul.f32 $2.000000030e-01, v0;
	v4 =	vadd.f32 v9, v4  }
0x77: {  	s30 =	sadd.s32 $0xFFFFFFE0, s16;
	s17 =	sadd.s32 $0x80, s31;
	v17 =	vadd.f32 $1.000000000e+00, v20;
	v9 =	vmul.f32 $3.000000120e-01, v19;
	v23 =	vpop (erf);
	v3 =	vmul.f32 $2.000000030e-01, v3;
	v5 =	vld.idx.msk [tilespmem:v15+s2+$0x0], $0xffff  }
0x78: {  	s28 =	sadd.s32 $0x70, s31;
	s31 =	sand.u32 $0x1FF00, s30;
	s17 =	sand.u32 $0x70, s17;
	v23 =	vadd.f32 $1.000000000e+00, v23;
	v14 =	vld.idx.msk [tilespmem:v15+s10+$0x0], $0xffff;
	v15 =	vmul.f32 $3.000000120e-01, v22;
	v4 =	vsub.f32 $0.0e+00, v4  }
0x79: {  	s29 =	sadd.s32 $0xFFFFFFC0, s16;
	s17 =	sor.u32 s17, s31;
	v18 =	vld.idx.msk [tilespmem:v21+s10+$0x0], $0xffff;
	v1 =	vadd.f32 v1, v9;
	v3 =	vadd.f32 v3, v8  }
0x7a: {  	s20 =	sand.u32 $0x1FF00, s29;
	s18 =	sand.u32 $0x70, s28;
	v21 =	vld [tilespmem:s17+$0x4F80];
	(erf) = vrcp.f32 v23;
	v0 =	vadd.f32 v0, v15;
	v4 =	vmul.f32 $1.442695020e+00, v4  }
0x7b: {  	s18 =	sor.u32 s18, s20;
	v9 =	vld [tilespmem:s19+$0x4F80];
	v8 =	vsub.f32 $0.0e+00, v1;
	v1 =	vadd.f32 $1.000000000e+00, v10;
	(erf) = vrcp.f32 v11  }
0x7c: {  	v10 =	vld [tilespmem:s18+$0x4F80];
	v3 =	vsub.f32 $0.0e+00, v3;
	(erf) = vrcp.f32 v17;
	v15 =	vsub.f32 $0.0e+00, v0  }
0x7d: {  	v19 =	vld.idx.msk [tilespmem:v12+s2+$0x0], $0xffff;
	v8 =	vmul.f32 $1.442695020e+00, v8;
	v0 =	vadd.f32 $1.000000000e+00, v16;
	(erf) = vpow2.f32 v4  }
0x7e: {  	v11 =	vld [tilespmem:s18+$0x4F00];
	v4 =	vshll.u32 v5, $0x10;
	v5 =	vadd.f32 v13, v5;
	v16 =	vadd.f32 v18, v14  }
0x7f: {  	v17 =	vld.idx.msk [tilespmem:v7+s2+$0x0], $0xffff;
	v13 =	vshll.u32 v13, $0x10;
	v14 =	vshll.u32 v14, $0x10;
	v18 =	vshll.u32 v18, $0x10  }
0x80: {  	v7 =	vld.idx.msk [tilespmem:v7+s10+$0x0], $0xffff;
	v3 =	vmul.f32 $1.442695020e+00, v3;
	v4 =	vsub.f32 v4, v13;
	v13 =	vsub.f32 v14, v18  }
0x81: {  	v20 =	vld [tilespmem:s17+$0x4F00];
	v14 =	vmul.f32 $1.442695020e+00, v15;
	(erf) = vpow2.f32 v8;
	v15 =	vand.u32 $0x7FFFFFFF, v5  }
0x82: {  	v8 =	vld.idx.msk [tilespmem:v12+s10+$0x0], $0xffff;
	v12 =	vand.u32 $0x7FFFFFFF, v16;
	v4 =	vand.u32 $0x7FFFFFFF, v4;
	v13 =	vand.u32 $0x7FFFFFFF, v13  }
0x83: {  	v18 =	vld.idx.msk [tilespmem:v6+s2+$0x0], $0xffff;
	v5 =	vadd.f32 v16, v5;
	v4 =	vmax.f32 v15, v4;
	v12 =	vmax.f32 v12, v13  }
0x84: {  	(erf) = vpow2.f32 v14;
	v13 =	vld.idx.msk [tilespmem:v9+s2+$0x0], $0xffff;
	v14 =	vshll.u32 v17, $0x10;
	v4 =	vadd.f32 v12, v4  }
0x85: {  	v15 =	vshll.u32 v19, $0x10;
	(erf) = vpow2.f32 v3;
	v3 =	vld.idx.msk [tilespmem:v9+s10+$0x0], $0xffff;
	v9 =	vshll.u32 v7, $0x10  }
0x86: {  	v5 =	vmul.f32 $3.000000120e-01, v5;
	v12 =	vld.idx.msk [tilespmem:v6+s10+$0x0], $0xffff;
	v6 =	vadd.f32 v19, v17;
	v4 =	vmul.f32 $2.000000030e-01, v4  }
0x87: {  	v14 =	vsub.f32 v14, v15;
	v19 =	vld.idx.msk [tilespmem:v10+s2+$0x0], $0xffff;
	v17 =	vshll.u32 v8, $0x10;
	v8 =	vadd.f32 v8, v7  }
0x88: {  	v16 =	vld.idx.msk [tilespmem:v11+s2+$0x0], $0xffff;
	v9 =	vsub.f32 v9, v17;
	v4 =	vadd.f32 v4, v5  }
0x89: {  	v17 =	vshll.u32 v18, $0x10;
	v15 =	vand.u32 $0x7FFFFFFF, v14;
	v5 =	vshll.u32 v13, $0x10  }
0x8a: {  	v22 =	vld.idx.msk [tilespmem:v11+s10+$0x0], $0xffff;
	v7 =	vadd.f32 v13, v18;
	v13 =	vand.u32 $0x7FFFFFFF, v9;
	v4 =	vsub.f32 $0.0e+00, v4  }
0x8b: {  	v11 =	vpop (erf);
	v14 =	vld.idx.msk [tilespmem:v10+s10+$0x0], $0xffff;
	v9 =	vshll.u32 v3, $0x10;
	v18 =	vshll.u32 v12, $0x10;
	v5 =	vsub.f32 v17, v5  }
0x8c: {  	s17 =	simm.s32 $0x9E20;
	v23 =	vpop (erf);
	v17 =	vld.idx.msk [tilespmem:v20+s2+$0x0], $0xffff;
	v10 =	vadd.f32 v3, v12;
	v25 =	vsub.f32 v18, v9;
	v18 =	vmul.f32 $1.442695020e+00, v4  }
0x8d: {  	[tilespmem:s17+$0x20] =	vst v2;
	v63 =	vpop (erf);
	v2 =	vshll.u32 v19, $0x10;
	v3 =	vshll.u32 v16, $0x10;
	v12 =	vadd.f32 v19, v16;
	v19 =	vld.idx.msk [tilespmem:v21+s2+$0x0], $0xffff  }
0x8e: {  	s18 =	simm.s32 $0x9E70;
	v4 =	vpop (erf);
	(erf) = vpow2.f32 v18;
	v18 =	vld.idx.msk [tilespmem:v20+s10+$0x0], $0xffff  }
0x8f: {  	[tilespmem:s18+$0x20] =	vst v11;
	v26 =	vshll.u32 v22, $0x10;
	v9 =	vand.u32 $0x7FFFFFFF, v5;
	v27 =	vsub.f32 v3, v2;
	v20 =	vld.idx.msk [tilespmem:v21+s10+$0x0], $0xffff;
	v5 =	vpop (erf)  }
0x90: {  	[tilespmem:s17+$0xFFFFFFE0] =	vst v23;
	v23 =	vshll.u32 v14, $0x10;
	v16 =	vadd.f32 v14, v22;
	v11 =	vand.u32 $0x7FFFFFFF, v25;
	v3 =	vpop (erf)  }
0x91: {  	s20 =	simm.s32 $0xA0;
	s19 =	simm.s32 $0x9E70;
	[tilespmem:s17+$0xFFFFFFF0] =	vst v63;
	v14 =	vand.u32 $0x7FFFFFFF, v27;
	v21 =	vsub.f32 v26, v23;
	v22 =	vshll.u32 v17, $0x10;
	v2 =	vpop (erf)  }
.LBB2_2:
0x92: {  	s21 =	sadd.s32 s20, s8;
	v23 =	vand.u32 $0x7FFFFFFF, v6;
	v24 =	vshll.u32 v19, $0x10;
	v17 =	vadd.f32 v19, v17  }
0x93: {  	v19 =	vshll.u32 v18, $0x10;
	s16 =	sadd.s32 $0xA0, s16;
	s22 =	sadd.s32 $0x50, s21;
	s23 =	sadd.s32 $0x90, s21;
	v15 =	vmax.f32 v23, v15;
	v22 =	vsub.f32 v22, v24  }
0x94: {  	s24 =	sadd.s32 $0x60, s21;
	s25 =	sand.u32 $0x1FF00, s16;
	v21 =	vand.u32 $0x7FFFFFFF, v21;
	v23 =	vshll.u32 v20, $0x10;
	v18 =	vadd.f32 v20, v18;
	s23 =	sand.u32 $0x70, s23  }
0x95: {  	s26 =	sadd.s32 $0x70, s21;
	s21 =	sadd.s32 $0x80, s21;
	v20 =	vand.u32 $0x7FFFFFFF, v8;
	v24 =	vsub.f32 v19, v23;
	s23 =	sor.u32 s23, s25;
	v22 =	vand.u32 $0x7FFFFFFF, v22  }
0x96: {  	s20 =	sadd.s32 $0x50, s20;
	v6 =	vadd.f32 v8, v6;
	s28 =	sadd.s32 $0xFFFFFFA0, s16;
	v8 =	vmax.f32 v20, v13;
	v13 =	vadd.f32 v10, v7;
	s25 =	sadd.s32 $0xFFFFFF80, s16;
	v23 =	vld [tilespmem:s23+$0x4F00]  }
0x97: {  	s29 =	sadd.s32 $0xFFFFFFC0, s16;
	s30 =	sadd.s32 $0xFFFFFFE0, s16;
	p0 =	slt.u32 s20, $0x26C0;
	v8 =	vadd.f32 v8, v15;
	v15 =	vadd.f32 v16, v12;
	v20 =	vld [tilespmem:s23+$0x4F80];
	(erf) = vrcp.f32 v1  }
0x98: {  	s22 =	sand.u32 $0x70, s22;
	s23 =	sand.u32 $0x70, s24;
	s24 =	sand.u32 $0x70, s26;
	v1 =	vand.u32 $0x7FFFFFFF, v7;
	v7 =	vand.u32 $0x7FFFFFFF, v10;
	v10 =	vand.u32 $0x7FFFFFFF, v24;
	v19 =	vpop (erf)  }
0x99: {  	s21 =	sand.u32 $0x70, s21;
	v12 =	vand.u32 $0x7FFFFFFF, v12;
	v16 =	vand.u32 $0x7FFFFFFF, v16;
	s25 =	sand.u32 $0xFF00, s25;
	s26 =	sand.u32 $0x1FF00, s28;
	v19 =	vadd.f32 $1.000000000e+00, v19  }
0x9a: {  	s22 =	sor.u32 s22, s25;
	s25 =	sand.u32 $0x1FF00, s29;
	s28 =	sand.u32 $0x1FF00, s30;
	v24 =	vand.u32 $0x7FFFFFFF, v18;
	v1 =	vmax.f32 v1, v9;
	v9 =	vand.u32 $0x7FFFFFFF, v17  }
0x9b: {  	s23 =	sor.u32 s23, s26;
	s24 =	sor.u32 s24, s25;
	s21 =	sor.u32 s21, s28;
	v7 =	vmax.f32 v7, v11;
	v11 =	vmax.f32 v12, v14;
	v25 =	vld [tilespmem:s22+$0x4F00];
	(erf) = vrcp.f32 v19  }
0x9c: {  	v14 =	vmax.f32 v16, v21;
	v10 =	vmax.f32 v24, v10;
	v9 =	vmax.f32 v9, v22;
	v12 =	vld [tilespmem:s22+$0x4F80]  }
0x9d: {  	v8 =	vmul.f32 $2.000000030e-01, v8;
	v1 =	vadd.f32 v7, v1;
	v7 =	vadd.f32 v14, v11;
	v16 =	vld [tilespmem:s23+$0x4F00]  }
0x9e: {  	v6 =	vmul.f32 $3.000000120e-01, v6;
	v14 =	vadd.f32 v18, v17;
	v9 =	vadd.f32 v10, v9;
	v11 =	vld.idx.msk [tilespmem:v23+s2+$0x0], $0xffff  }
0x9f: {  	v4 =	vadd.f32 $1.000000000e+00, v4;
	v1 =	vmul.f32 $2.000000030e-01, v1;
	v7 =	vmul.f32 $2.000000030e-01, v7;
	v10 =	vld.idx.msk [tilespmem:v20+s2+$0x0], $0xffff  }
0xa0: {  	v6 =	vadd.f32 v8, v6;
	v8 =	vmul.f32 $3.000000120e-01, v13;
	v9 =	vmul.f32 $2.000000030e-01, v9;
	v17 =	vld.idx.msk [tilespmem:v23+s10+$0x0], $0xffff;
	v13 =	vpop (erf)  }
0xa1: {  	v5 =	vadd.f32 $1.000000000e+00, v5;
	v15 =	vmul.f32 $3.000000120e-01, v15;
	v14 =	vmul.f32 $3.000000120e-01, v14;
	v18 =	vld.idx.msk [tilespmem:v20+s10+$0x0], $0xffff;
	[tilespmem:s17+$0x0] =	vst v13  }
0xa2: {  	v6 =	vsub.f32 $0.0e+00, v6;
	v1 =	vadd.f32 v1, v8;
	v13 =	vld [tilespmem:s23+$0x4F80];
	(erf) = vrcp.f32 v4  }
0xa3: {  	v4 =	vadd.f32 v7, v15;
	v7 =	vadd.f32 v9, v14;
	v19 =	vld [tilespmem:s24+$0x4F00];
	(erf) = vrcp.f32 v5  }
0xa4: {  	s18 =	sadd.s32 $0x50, s18;
	v6 =	vmul.f32 $1.442695020e+00, v6;
	v8 =	vsub.f32 $0.0e+00, v1;
	v1 =	vadd.f32 $1.000000000e+00, v3;
	v5 =	vld [tilespmem:s24+$0x4F80];
	v9 =	vpop (erf)  }
0xa5: {  	v4 =	vsub.f32 $0.0e+00, v4;
	v7 =	vsub.f32 $0.0e+00, v7;
	v3 =	vld [tilespmem:s21+$0x4F00];
	[tilespmem:s18+$0x20] =	vst v9;
	(erf) = vrcp.f32 v0  }
0xa6: {  	v8 =	vmul.f32 $1.442695020e+00, v8;
	v0 =	vadd.f32 $1.000000000e+00, v2;
	v14 =	vld [tilespmem:s21+$0x4F80];
	(erf) = vpow2.f32 v6  }
0xa7: {  	v9 =	vadd.f32 v10, v11;
	v6 =	vshll.u32 v11, $0x10;
	v11 =	vadd.f32 v18, v17;
	v2 =	vld.idx.msk [tilespmem:v25+s2+$0x0], $0xffff  }
0xa8: {  	v10 =	vshll.u32 v10, $0x10;
	v17 =	vshll.u32 v17, $0x10;
	v18 =	vshll.u32 v18, $0x10;
	v15 =	vld.idx.msk [tilespmem:v12+s2+$0x0], $0xffff  }
0xa9: {  	v23 =	vmul.f32 $1.442695020e+00, v4;
	v6 =	vsub.f32 v6, v10;
	v10 =	vsub.f32 v17, v18;
	v20 =	vld.idx.msk [tilespmem:v25+s10+$0x0], $0xffff  }
0xaa: {  	v7 =	vmul.f32 $1.442695020e+00, v7;
	v17 =	vand.u32 $0x7FFFFFFF, v9;
	v12 =	vld.idx.msk [tilespmem:v12+s10+$0x0], $0xffff;
	(erf) = vpow2.f32 v8  }
0xab: {  	v6 =	vand.u32 $0x7FFFFFFF, v6;
	v10 =	vand.u32 $0x7FFFFFFF, v10;
	v8 =	vand.u32 $0x7FFFFFFF, v11;
	v18 =	vld.idx.msk [tilespmem:v16+s2+$0x0], $0xffff;
	v21 =	vpop (erf)  }
0xac: {  	v6 =	vmax.f32 v17, v6;
	v8 =	vmax.f32 v8, v10;
	v22 =	vld.idx.msk [tilespmem:v13+s2+$0x0], $0xffff;
	(erf) = vpow2.f32 v23;
	[tilespmem:s19+$0xFFFFFFE0] =	vst v21;
	v4 =	vpop (erf)  }
0xad: {  	v9 =	vadd.f32 v11, v9;
	v10 =	vshll.u32 v2, $0x10;
	v8 =	vadd.f32 v8, v6;
	v16 =	vld.idx.msk [tilespmem:v16+s10+$0x0], $0xffff;
	[tilespmem:s19+$0xFFFFFFF0] =	vst v4  }
0xae: {  	v11 =	vshll.u32 v15, $0x10;
	v6 =	vadd.f32 v15, v2;
	v2 =	vld.idx.msk [tilespmem:v13+s10+$0x0], $0xffff;
	(erf) = vpow2.f32 v7;
	v7 =	vpop (erf)  }
0xaf: {  	v9 =	vmul.f32 $3.000000120e-01, v9;
	v13 =	vshll.u32 v20, $0x10;
	v15 =	vmul.f32 $2.000000030e-01, v8;
	v21 =	vld.idx.msk [tilespmem:v19+s2+$0x0], $0xffff;
	v4 =	vpop (erf);
	[tilespmem:s17+$0x10] =	vst v7;
	s17 =	smov.u32 s19;
	s19 =	smov.u32 s18  }
0xb0: {  	v10 =	vsub.f32 v10, v11;
	v7 =	vshll.u32 v12, $0x10;
	v8 =	vadd.f32 v12, v20;
	v11 =	vld.idx.msk [tilespmem:v5+s2+$0x0], $0xffff  }
0xb1: {  	v12 =	vsub.f32 v13, v7;
	v13 =	vshll.u32 v18, $0x10;
	v9 =	vadd.f32 v15, v9;
	v23 =	vld.idx.msk [tilespmem:v19+s10+$0x0], $0xffff  }
0xb2: {  	v15 =	vand.u32 $0x7FFFFFFF, v10;
	v10 =	vshll.u32 v22, $0x10;
	v7 =	vadd.f32 v22, v18;
	v22 =	vld.idx.msk [tilespmem:v5+s10+$0x0], $0xffff  }
0xb3: {  	v18 =	vshll.u32 v16, $0x10;
	v20 =	vsub.f32 v13, v10;
	v9 =	vsub.f32 $0.0e+00, v9;
	v17 =	vld.idx.msk [tilespmem:v3+s2+$0x0], $0xffff;
	v5 =	vpop (erf)  }
0xb4: {  	v13 =	vand.u32 $0x7FFFFFFF, v12;
	v12 =	vshll.u32 v2, $0x10;
	v10 =	vadd.f32 v2, v16;
	v19 =	vld.idx.msk [tilespmem:v14+s2+$0x0], $0xffff  }
.Ltmp0:
0xb5: {  	v16 =	vsub.f32 v18, v12;
	v26 =	vshll.u32 v21, $0x10;
	v24 =	vmul.f32 $1.442695020e+00, v9;
	v18 =	vld.idx.msk [tilespmem:v3+s10+$0x0], $0xffff;
	v3 =	vpop (erf);
	(pc) =	sbr.rel @p0 .LBB2_2-.Ltmp0, $4  }
0xb6: {  	v9 =	vand.u32 $0x7FFFFFFF, v20;
	v25 =	vshll.u32 v11, $0x10;
	v12 =	vadd.f32 v11, v21;
	v20 =	vld.idx.msk [tilespmem:v14+s10+$0x0], $0xffff  }
0xb7: {  	v14 =	vshll.u32 v23, $0x10;
	v25 =	vsub.f32 v26, v25;
	(erf) = vpow2.f32 v24;
	v2 =	vpop (erf)  }
0xb8: {  	v11 =	vand.u32 $0x7FFFFFFF, v16;
	v21 =	vshll.u32 v22, $0x10;
	v16 =	vadd.f32 v22, v23  }
0xb9: {  	v21 =	vsub.f32 v14, v21;
	v14 =	vand.u32 $0x7FFFFFFF, v25;
	v22 =	vshll.u32 v17, $0x10  }
0xba: {  	v23 =	vand.u32 $0x7FFFFFFF, v6;
	v24 =	vshll.u32 v19, $0x10  }
0xbb: {  	v17 =	vadd.f32 v19, v17;
	v55 =	vshll.u32 v18, $0x10;
	v59 =	vadd.f32 v8, v6  }
0xbc: {  	v58 =	vand.u32 $0x7FFFFFFF, v8;
	v61 =	vadd.f32 v10, v7;
	v63 =	vadd.f32 v16, v12  }
0xbd: {  	(erf) = vrcp.f32 v1;
	v25 =	vand.u32 $0x7FFFFFFF, v10;
	v28 =	vand.u32 $0x7FFFFFFF, v12  }
0xbe: {  	v29 =	vand.u32 $0x7FFFFFFF, v16;
	v4 =	vadd.f32 $1.000000000e+00, v4;
	v5 =	vadd.f32 $1.000000000e+00, v5  }
0xbf: {  	v15 =	vmax.f32 v23, v15;
	v22 =	vsub.f32 v22, v24;
	v21 =	vand.u32 $0x7FFFFFFF, v21  }
0xc0: {  	v56 =	vshll.u32 v20, $0x10;
	v57 =	vadd.f32 v20, v18;
	v60 =	vmax.f32 v58, v13  }
0xc1: {  	v24 =	vand.u32 $0x7FFFFFFF, v7;
	v7 =	vmax.f32 v25, v11;
	v32 =	vmax.f32 v28, v14  }
0xc2: {  	v19 =	vsub.f32 v55, v56;
	v8 =	vadd.f32 v60, v15;
	v1 =	vmax.f32 v24, v9  }
0xc3: {  	v30 =	vand.u32 $0x7FFFFFFF, v17;
	v33 =	vmax.f32 v29, v21;
	v6 =	vmul.f32 $3.000000120e-01, v59  }
0xc4: {  	v36 =	vmul.f32 $3.000000120e-01, v61;
	v62 =	vand.u32 $0x7FFFFFFF, v22;
	v31 =	vand.u32 $0x7FFFFFFF, v57  }
0xc5: {  	v1 =	vadd.f32 v7, v1;
	v34 =	vadd.f32 v33, v32;
	v26 =	vand.u32 $0x7FFFFFFF, v19  }
0xc6: {  	v9 =	vmax.f32 v30, v62;
	v8 =	vmul.f32 $2.000000030e-01, v8;
	v10 =	vmax.f32 v31, v26  }
0xc7: {  	v35 =	vadd.f32 v57, v17;
	v1 =	vmul.f32 $2.000000030e-01, v1;
	v27 =	vpop (erf);
	v9 =	vadd.f32 v10, v9  }
0xc8: {  	v38 =	vmul.f32 $3.000000120e-01, v63;
	v6 =	vadd.f32 v8, v6;
	v19 =	vadd.f32 $1.000000000e+00, v27  }
0xc9: {  	v7 =	vmul.f32 $2.000000030e-01, v34;
	v39 =	vmul.f32 $3.000000120e-01, v35;
	v1 =	vadd.f32 v1, v36  }
0xca: {  	v37 =	vmul.f32 $2.000000030e-01, v9;
	v6 =	vsub.f32 $0.0e+00, v6;
	(erf) = vrcp.f32 v19  }
0xcb: {  	v40 =	vadd.f32 v7, v38;
	v1 =	vsub.f32 $0.0e+00, v1;
	(erf) = vrcp.f32 v4  }
0xcc: {  	v41 =	vadd.f32 v37, v39;
	v42 =	vmul.f32 $1.442695020e+00, v6;
	(erf) = vrcp.f32 v5  }
0xcd: {  	v4 =	vsub.f32 $0.0e+00, v40;
	v43 =	vmul.f32 $1.442695020e+00, v1;
	(erf) = vrcp.f32 v0  }
0xce: {  	v44 =	vsub.f32 $0.0e+00, v41;
	(erf) = vpow2.f32 v42  }
0xcf: {  	v4 =	vmul.f32 $1.442695020e+00, v4;
	(erf) = vpow2.f32 v43  }
0xd0: {  	v45 =	vmul.f32 $1.442695020e+00, v44  }
0xd1: {  	(erf) = vpow2.f32 v4  }
0xd2: {  	v46 =	vpop (erf);
	(erf) = vpow2.f32 v45  }
0xd3: {  	v47 =	vpop (erf)  }
0xd4: {  	v48 =	vpop (erf)  }
0xd5: {  	v49 =	vpop (erf)  }
0xd6: {  	v50 =	vpop (erf)  }
0xd7: {  	v3 =	vadd.f32 $1.000000000e+00, v3;
	v51 =	vpop (erf)  }
0xd8: {  	v52 =	vpop (erf);
	v7 =	vadd.f32 $1.000000000e+00, v51  }
0xd9: {  	(erf) = vrcp.f32 v3;
	v53 =	vadd.f32 $1.000000000e+00, v52  }
0xda: {  	v2 =	vadd.f32 $1.000000000e+00, v2;
	v54 =	vpop (erf);
	(erf) = vrcp.f32 v7  }
0xdb: {  	v55 =	vpop (erf);
	v56 =	vadd.f32 $1.000000000e+00, v54;
	(erf) = vrcp.f32 v53  }
0xdc: {  	v57 =	vadd.f32 $1.000000000e+00, v55;
	(erf) = vrcp.f32 v2  }
0xdd: {  	(erf) = vrcp.f32 v56  }
0xde: {  	s16 =	sadd.s32 $0x50, s18;
	[tilespmem:s17+$0x0] =	vst v46;
	(erf) = vrcp.f32 v57  }
0xdf: {  	[tilespmem:s16+$0x20] =	vst v47  }
0xe0: {  	[tilespmem:s19+$0xFFFFFFE0] =	vst v48  }
0xe1: {  	[tilespmem:s19+$0xFFFFFFF0] =	vst v49  }
0xe2: {  	[tilespmem:s17+$0x10] =	vst v50;
	v58 =	vpop (erf)  }
0xe3: {  	[tilespmem:s19+$0x0] =	vst v58;
	v59 =	vpop (erf)  }
0xe4: {  	[tilespmem:s16+$0xFFFFFFE0] =	vst v59;
	v60 =	vpop (erf)  }
0xe5: {  	[tilespmem:s16+$0xFFFFFFF0] =	vst v60;
	v61 =	vpop (erf)  }
0xe6: {  	s15 =	sadd.s32 $0x1, s15;
	[tilespmem:s19+$0x10] =	vst v61;
	v62 =	vpop (erf)  }
0xe7: {  	p0 =	sne.s32 s15, s7;
	[tilespmem:s16+$0x0] =	vst v62;
	v63 =	vpop (erf)  }
.Ltmp1:
0xe8: {  	[tilespmem:s16+$0x10] =	vst v63;
	(pc) =	sbr.rel @p0 .LBB2_1-.Ltmp1, $4  }
0xe9: {  	[hbm4b:s6+s2] =	stream.linear.scatter [tilespmem:s13], [sflag:$0x2], $0x2710, $0x38;
	[tilespmem:$0xC580] =	vst v63  }
0xea: {  	_ =	swait.ge [sflag:s14], $0x2710  }
0xeb: {  	[sflag:s14] =	ssyncset.done $0x0  }
0xec: {  	[sflag:s14] =	ssyncadd.s32 $0xFFFFD8F0  }
0xed: {  	_ =	sfence.sel $0x180000  }
0xee: {  	[bflag:$0x0] =	sbarrier.arrive $0xFFFF  }
0xef: {  	p0 =	sne.s32 s1, $0x0;
	_ =	strace $0x90000047  }
0xf0: {  	s0 =	sadd.s32 @!p0 $0x100000, s0;
	[bflag:$0x2] =	sbarrier.arrive $0xFFFF  }
0xf1: {  	[sflag:s0] =	ssyncadd.tile.s32 @!p0 $0x1;
	_ =	shalt  }
.Lfunc_end2:
_tile_overlayer_lowered:
.L_overlay_start_2:
0xf2: {  	(tag) =	ssettag $0x2  }
0xf3: {  	s0 =	rddreg [dreg:$0x0];
	s2 =	stileid.u32  }
0xf4: {  	s1 =	rddreg [dreg:$0x1];
	p0 =	sne.s32 s2, $0x0  }
0xf5: {  	s3 =	rddreg [dreg:$0x2];
	[bflag:$0x3] =	sbarrier.arrive $0xFFFF;
	s2 =	simm.s32 @!p0 $0x1C02  }
0xf6: {  	[timem:s3], [sflag:s2] =	dma.local @!p0 [hbm:s0], s1  }
0xf7: {  	s0 =	simm.s32 @!p0 $0x2  }
0xf8: {  	_ =	swait.ge @!p0 [sflag:s0], s1  }
0xf9: {  	s1 =	ssub.s32 @!p0 $0x0, s1;
	[sflag:s0] =	ssyncset.done @!p0 $0x0  }
0xfa: {  	[sflag:s0] =	ssyncadd.s32 @!p0 s1  }
0xfb: {  	[bflag:$0x3] =	sbarrier.arrive $0xFFFF  }
0xfc: {  	_ =	shalt  }

</sc_bundles>
